<compile_context>
chip_gen: v7x
topology: tpu7x:2x2x1
jax: 0.10.2.dev20260603
libtpu: 0.0.44.dev20260713+nightly
codegen_flags: <defaults>
</compile_context>

<pallas_src>
import functools

import jax
import jax.numpy as jnp
from jax import lax
from jax.experimental import pallas as pl
from jax.experimental.pallas import tpu as pltpu
from jax.experimental.pallas import tpu_sc as plsc

_NC = 2
_NS = 16
_NW = _NC * _NS
_LANES = 16


@functools.partial(jax.jit, static_argnames=("interpret",))
def _run(x, table, pos_enc, interpret=False):
    B, L = x.shape
    D = pos_enc.shape[1]
    BPW = B // _NW
    scale = float(D) ** 0.5

    mesh = plsc.VectorSubcoreMesh(
        core_axis_name="c", subcore_axis_name="s",
        num_cores=_NC, num_subcores=_NS,
    )

    def body(xh, tab, pos, out, x_v, idx_v, pos_v, in0, in1, o0, o1,
             sem_g, sem_o):
        c = lax.axis_index("c")
        s = lax.axis_index("s")
        w = s * _NC + c
        base = w * BPW

        pltpu.sync_copy(xh.at[pl.ds(base, BPW)], x_v.at[:, pl.ds(0, L)])
        pltpu.sync_copy(pos, pos_v)

        iota = lax.iota(jnp.int32, _LANES)

        def build_idx(l):
            lvec = iota * 0 + l
            for k in range(BPW // _LANES):
                idx_v[l, pl.ds(_LANES * k, _LANES)] = plsc.load_gather(
                    x_v, [iota + (_LANES * k), lvec])

        ins = (in0, in1)
        outs = (o0, o1)
        dhiv = []
        dlov = []
        for j in range(D // _LANES):
            dv = iota + (_LANES * j)
            hi = lax.div(dv, 8)
            dhiv.append(hi)
            dlov.append(dv - hi * 8)

        build_idx(0)
        pltpu.async_copy(tab.at[idx_v.at[0]], in0, sem_g)

        @pl.loop(0, L, step=2)
        def _l_loop(lbase):
            for p in range(2):
                l = lbase + p
                ib = ins[p]
                ob = outs[p]

                @pl.when(l + 1 < L)
                def _():
                    build_idx(l + 1)
                    pltpu.async_copy(tab.at[idx_v.at[l + 1]], ins[1 - p], sem_g)

                pltpu.make_async_copy(tab.at[idx_v.at[l]], ib, sem_g).wait()

                @pl.when(l >= 2)
                def _():
                    pltpu.make_async_copy(
                        ob.at[:, :, pl.ds(0, BPW)],
                        out.at[l - 2, :, w], sem_o).wait()

                pj = [pos_v[l, pl.ds(_LANES * j, _LANES)]
                      for j in range(D // _LANES)]

                @plsc.parallel_loop(0, BPW, unroll=4)
                def _r_loop(r):
                    bvec = iota * 0 + r
                    vals = [ib[r, pl.ds(_LANES * j, _LANES)]
                            for j in range(D // _LANES)]
                    for j in range(D // _LANES):
                        plsc.store_scatter(
                            ob, [dhiv[j], dlov[j], bvec],
                            vals[j] * scale + pj[j])

                pltpu.async_copy(
                    ob.at[:, :, pl.ds(0, BPW)], out.at[l, :, w], sem_o)

        pltpu.make_async_copy(
            o0.at[:, :, pl.ds(0, BPW)], out.at[L - 2, :, w], sem_o).wait()
        pltpu.make_async_copy(
            o1.at[:, :, pl.ds(0, BPW)], out.at[L - 1, :, w], sem_o).wait()

    kern = pl.kernel(
        body,
        out_type=jax.ShapeDtypeStruct((L, D // 8, _NW, 8, BPW), jnp.float32),
        mesh=mesh,
        scratch_types=[
            pltpu.VMEM((BPW, L + 1), jnp.int32),
            pltpu.VMEM((L, BPW), jnp.int32),
            pltpu.VMEM((L, D), jnp.float32),
            pltpu.VMEM((BPW, D), jnp.float32),
            pltpu.VMEM((BPW, D), jnp.float32),
            pltpu.VMEM((D // 8, 8, BPW + 1), jnp.float32),
            pltpu.VMEM((D // 8, 8, BPW + 1), jnp.float32),
            pltpu.SemaphoreType.DMA,
            pltpu.SemaphoreType.DMA,
        ],
        compiler_params=pltpu.CompilerParams(
            use_tc_tiling_on_sc=False, needs_layout_passes=False),
        interpret=interpret,
    )
    out5 = kern(x, table, pos_enc)
    return out5.transpose(2, 4, 0, 1, 3).reshape(B, L, D)


def kernel(x, table, pos_enc):
    return _run(x, table, pos_enc)

# --- scband reference (transcript-rebuilt; emitter-appended) ---
"""Pipeline reference for scband-positional-embedding-64166811402437 (READ-ONLY COPY).

The authoritative reference and input builder live on the scoring server;
editing this copy changes nothing except your own understanding.
"""

import jax, jax.numpy as jnp
import numpy as np

VOCAB = 1000000
D = 64
MAX_LEN = 200
B = 4096
L = 200


def positional_encoding(length, depth):
    half = depth // 2
    positions = np.arange(length)[:, None].astype(np.float32)
    depths = (np.arange(half)[None, :] / half).astype(np.float32)
    angle_rates = 1.0 / (10000.0 ** depths)
    angle_rads = positions * angle_rates
    pos = np.concatenate([np.sin(angle_rads), np.cos(angle_rads)], axis=-1)
    return jnp.asarray(pos, dtype=jnp.float32)


def setup_inputs(seed: int = 0) -> dict:
    key = jax.random.key(seed)
    k_idx, k_tab = jax.random.split(key)
    x = jax.random.randint(k_idx, (B, L), 0, VOCAB, dtype=jnp.int32)
    table = jax.random.normal(k_tab, (VOCAB, D), dtype=jnp.float32) * 0.02
    pos_enc = positional_encoding(MAX_LEN, D)
    return {"x": x, "table": table, "pos_enc": pos_enc}


def reference(x, table, pos_enc):
    length = x.shape[1]
    emb = jnp.take(table, x, axis=0)
    emb = emb * jnp.sqrt(jnp.asarray(D, dtype=jnp.float32))
    emb = emb + pos_enc[jnp.newaxis, :length, :]
    return emb

if __name__ == "__main__":
    import jax
    _d = setup_inputs()
    print(jax.jit(kernel)(*tuple(_d.values())))

</pallas_src>

<mosaic_0001>
#map = affine_map<(d0, d1) -> (0, 0)>
#map1 = affine_map<(d0, d1) -> (0, 0, 0, 0, 0)>
module attributes {stable_mosaic.version = 14 : i64} {
  func.func @body(%arg0: i32, %arg1: i32, %arg2: memref<4096x200xi32, #tpu.memory_space<hbm>>, %arg3: memref<1000000x64xf32, #tpu.memory_space<hbm>>, %arg4: memref<200x64xf32, #tpu.memory_space<hbm>>, %arg5: memref<200x8x32x8x128xf32, #tpu.memory_space<hbm>>, %arg6: memref<128x201xi32, #tpu.memory_space<vmem>>, %arg7: memref<200x128xi32, #tpu.memory_space<vmem>>, %arg8: memref<200x64xf32, #tpu.memory_space<vmem>>, %arg9: memref<128x64xf32, #tpu.memory_space<vmem>>, %arg10: memref<128x64xf32, #tpu.memory_space<vmem>>, %arg11: memref<8x8x129xf32, #tpu.memory_space<vmem>>, %arg12: memref<8x8x129xf32, #tpu.memory_space<vmem>>, %arg13: memref<!tpu.dma_semaphore, #tpu.memory_space<semaphore_mem>>, %arg14: memref<!tpu.dma_semaphore, #tpu.memory_space<semaphore_mem>>) attributes {dimension_semantics = [#tpu.dimension_semantics<core_parallel>, #tpu.dimension_semantics<subcore_parallel>], iteration_bounds = array<i64: 2, 16>, scalar_prefetch = 0 : i64, scratch_operands = 9 : i64, tpu.core_type = #tpu.core_type<sc_vector_subcore>, window_params = [{transform_indices = #map}, {transform_indices = #map}, {transform_indices = #map}, {transform_indices = #map1}]} {
    %mul3A = arith.constant 2 : i32
    %mul3A_0 = arith.muli %arg1, %mul3A : i32
    %add3A = arith.addi %mul3A_0, %arg0 : i32
    %mul3A_1 = arith.constant 128 : i32
    %mul3A_2 = arith.muli %add3A, %mul3A_1 : i32
    "tpu.region"() ({
      %run_scoped3A = tpu.sem_alloc : memref<!tpu.dma_semaphore, #tpu.memory_space<semaphore_mem>>
      %dma_start3A_156 = arith.constant 0 : i32
      %dma_start3A_157 = arith.constant 0 : i32
      %dma_start3A_158 = tpu.memref_slice %arg6[%dma_start3A_156, %dma_start3A_157] : memref<128x201xi32, #tpu.memory_space<vmem>> -> memref<128x200xi32, #tpu.memory_space<vmem>>
      %dma_start3A_159 = arith.constant 0 : i32
      %dma_start3A_160 = tpu.memref_slice %arg2[%mul3A_2, %dma_start3A_159] : memref<4096x200xi32, #tpu.memory_space<hbm>> -> memref<128x200xi32, #tpu.memory_space<hbm>>
      %dma_start3A_161 = arith.constant 0 : i32
      %dma_start3A_162 = arith.constant 0 : i32
      %dma_start3A_163 = tpu.memref_slice %arg6[%dma_start3A_161, %dma_start3A_162] : memref<128x201xi32, #tpu.memory_space<vmem>> -> memref<128x200xi32, #tpu.memory_space<vmem>>
      %dma_start3A_164 = arith.constant 0 : i32
      %dma_start3A_165 = tpu.memref_slice %arg2[%mul3A_2, %dma_start3A_164] : memref<4096x200xi32, #tpu.memory_space<hbm>> -> memref<128x200xi32, #tpu.memory_space<hbm>>
      tpu.enqueue_dma source(%dma_start3A_165 : memref<128x200xi32, #tpu.memory_space<hbm>>) target(%dma_start3A_163 : memref<128x200xi32, #tpu.memory_space<vmem>>) target_semaphore(%run_scoped3A : memref<!tpu.dma_semaphore, #tpu.memory_space<semaphore_mem>>)
      %dma_wait3A_166 = arith.constant 0 : i32
      %dma_wait3A_167 = arith.constant 0 : i32
      %dma_wait3A_168 = tpu.memref_slice %arg6[%dma_wait3A_166, %dma_wait3A_167] : memref<128x201xi32, #tpu.memory_space<vmem>> -> memref<128x200xi32, #tpu.memory_space<vmem>>
      %dma_wait3A_169 = arith.constant 0 : i32
      %dma_wait3A_170 = tpu.memref_slice %arg2[%mul3A_2, %dma_wait3A_169] : memref<4096x200xi32, #tpu.memory_space<hbm>> -> memref<128x200xi32, #tpu.memory_space<hbm>>
      %dma_wait3A_171 = arith.constant 0 : i32
      %dma_wait3A_172 = arith.constant 0 : i32
      %dma_wait3A_173 = tpu.memref_slice %arg6[%dma_wait3A_171, %dma_wait3A_172] : memref<128x201xi32, #tpu.memory_space<vmem>> -> memref<128x200xi32, #tpu.memory_space<vmem>>
      %dma_wait3A_174 = arith.constant 0 : i32
      %dma_wait3A_175 = tpu.memref_slice %arg2[%mul3A_2, %dma_wait3A_174] : memref<4096x200xi32, #tpu.memory_space<hbm>> -> memref<128x200xi32, #tpu.memory_space<hbm>>
      tpu.wait_dma2 semaphore(%run_scoped3A : memref<!tpu.dma_semaphore, #tpu.memory_space<semaphore_mem>>) src(%dma_wait3A_175 : memref<128x200xi32, #tpu.memory_space<hbm>>) dst(%dma_wait3A_173 : memref<128x200xi32, #tpu.memory_space<vmem>>)
      tpu.yield
    }) : () -> ()
    "tpu.region"() ({
      %run_scoped3A = tpu.sem_alloc : memref<!tpu.dma_semaphore, #tpu.memory_space<semaphore_mem>>
      tpu.enqueue_dma source(%arg4 : memref<200x64xf32, #tpu.memory_space<hbm>>) target(%arg8 : memref<200x64xf32, #tpu.memory_space<vmem>>) target_semaphore(%run_scoped3A : memref<!tpu.dma_semaphore, #tpu.memory_space<semaphore_mem>>)
      tpu.wait_dma2 semaphore(%run_scoped3A : memref<!tpu.dma_semaphore, #tpu.memory_space<semaphore_mem>>) src(%arg4 : memref<200x64xf32, #tpu.memory_space<hbm>>) dst(%arg8 : memref<200x64xf32, #tpu.memory_space<vmem>>)
      tpu.yield
    }) : () -> ()
    %iota3A = tpu.iota {dimensions = array<i32: 0>} : vector<16xi32>
    %add3A_3 = arith.constant 0 : i32
    %add3A_4 = vector.broadcast %add3A_3 : i32 to vector<16xi32>
    %add3A_5 = arith.addi %iota3A, %add3A_4 : vector<16xi32>
    %div3A = arith.constant 8 : i32
    %div3A_6 = vector.broadcast %div3A : i32 to vector<16xi32>
    %div3A_7 = arith.divsi %add3A_5, %div3A_6 : vector<16xi32>
    %mul3A_8 = arith.constant 8 : i32
    %mul3A_9 = vector.broadcast %mul3A_8 : i32 to vector<16xi32>
    %mul3A_10 = arith.muli %div3A_7, %mul3A_9 : vector<16xi32>
    %sub3A = arith.subi %add3A_5, %mul3A_10 : vector<16xi32>
    %add3A_11 = arith.constant 16 : i32
    %add3A_12 = vector.broadcast %add3A_11 : i32 to vector<16xi32>
    %add3A_13 = arith.addi %iota3A, %add3A_12 : vector<16xi32>
    %div3A_14 = arith.constant 8 : i32
    %div3A_15 = vector.broadcast %div3A_14 : i32 to vector<16xi32>
    %div3A_16 = arith.divsi %add3A_13, %div3A_15 : vector<16xi32>
    %mul3A_17 = arith.constant 8 : i32
    %mul3A_18 = vector.broadcast %mul3A_17 : i32 to vector<16xi32>
    %mul3A_19 = arith.muli %div3A_16, %mul3A_18 : vector<16xi32>
    %sub3A_20 = arith.subi %add3A_13, %mul3A_19 : vector<16xi32>
    %add3A_21 = arith.constant 32 : i32
    %add3A_22 = vector.broadcast %add3A_21 : i32 to vector<16xi32>
    %add3A_23 = arith.addi %iota3A, %add3A_22 : vector<16xi32>
    %div3A_24 = arith.constant 8 : i32
    %div3A_25 = vector.broadcast %div3A_24 : i32 to vector<16xi32>
    %div3A_26 = arith.divsi %add3A_23, %div3A_25 : vector<16xi32>
    %mul3A_27 = arith.constant 8 : i32
    %mul3A_28 = vector.broadcast %mul3A_27 : i32 to vector<16xi32>
    %mul3A_29 = arith.muli %div3A_26, %mul3A_28 : vector<16xi32>
    %sub3A_30 = arith.subi %add3A_23, %mul3A_29 : vector<16xi32>
    %add3A_31 = arith.constant 48 : i32
    %add3A_32 = vector.broadcast %add3A_31 : i32 to vector<16xi32>
    %add3A_33 = arith.addi %iota3A, %add3A_32 : vector<16xi32>
    %div3A_34 = arith.constant 8 : i32
    %div3A_35 = vector.broadcast %div3A_34 : i32 to vector<16xi32>
    %div3A_36 = arith.divsi %add3A_33, %div3A_35 : vector<16xi32>
    %mul3A_37 = arith.constant 8 : i32
    %mul3A_38 = vector.broadcast %mul3A_37 : i32 to vector<16xi32>
    %mul3A_39 = arith.muli %div3A_36, %mul3A_38 : vector<16xi32>
    %sub3A_40 = arith.subi %add3A_33, %mul3A_39 : vector<16xi32>
    %mul3A_41 = arith.constant 0 : i32
    %mul3A_42 = vector.broadcast %mul3A_41 : i32 to vector<16xi32>
    %mul3A_43 = arith.muli %iota3A, %mul3A_42 : vector<16xi32>
    %add3A_44 = arith.constant 0 : i32
    %add3A_45 = vector.broadcast %add3A_44 : i32 to vector<16xi32>
    %add3A_46 = arith.addi %mul3A_43, %add3A_45 : vector<16xi32>
    %add3A_47 = arith.constant 0 : i32
    %add3A_48 = vector.broadcast %add3A_47 : i32 to vector<16xi32>
    %add3A_49 = arith.addi %iota3A, %add3A_48 : vector<16xi32>
    %gather3A = tpu.vector_load_idx %arg6[%add3A_49, %add3A_46] : memref<128x201xi32, #tpu.memory_space<vmem>>[vector<16xi32>, vector<16xi32>], vector<16xi32>,
    %swap3A = arith.constant 0 : i32
    %swap3A_50 = arith.index_cast %swap3A : i32 to index
    %swap3A_51 = arith.constant 0 : index
    %swap3A_52 = tpu.vector_load %arg7[%swap3A_50, %swap3A_51] {strides = array<i32>} : memref<200x128xi32, #tpu.memory_space<vmem>>, vector<16xi32>,
    tpu.vector_store %arg7[%swap3A_50, %swap3A_51], %gather3A {strides = array<i32>} : memref<200x128xi32, #tpu.memory_space<vmem>>, vector<16xi32>,
    %add3A_53 = arith.constant 16 : i32
    %add3A_54 = vector.broadcast %add3A_53 : i32 to vector<16xi32>
    %add3A_55 = arith.addi %iota3A, %add3A_54 : vector<16xi32>
    %gather3A_56 = tpu.vector_load_idx %arg6[%add3A_55, %add3A_46] : memref<128x201xi32, #tpu.memory_space<vmem>>[vector<16xi32>, vector<16xi32>], vector<16xi32>,
    %swap3A_57 = arith.constant 0 : i32
    %swap3A_58 = arith.index_cast %swap3A_57 : i32 to index
    %swap3A_59 = arith.constant 16 : index
    %swap3A_60 = tpu.vector_load %arg7[%swap3A_58, %swap3A_59] {strides = array<i32>} : memref<200x128xi32, #tpu.memory_space<vmem>>, vector<16xi32>,
    tpu.vector_store %arg7[%swap3A_58, %swap3A_59], %gather3A_56 {strides = array<i32>} : memref<200x128xi32, #tpu.memory_space<vmem>>, vector<16xi32>,
    %add3A_61 = arith.constant 32 : i32
    %add3A_62 = vector.broadcast %add3A_61 : i32 to vector<16xi32>
    %add3A_63 = arith.addi %iota3A, %add3A_62 : vector<16xi32>
    %gather3A_64 = tpu.vector_load_idx %arg6[%add3A_63, %add3A_46] : memref<128x201xi32, #tpu.memory_space<vmem>>[vector<16xi32>, vector<16xi32>], vector<16xi32>,
    %swap3A_65 = arith.constant 0 : i32
    %swap3A_66 = arith.index_cast %swap3A_65 : i32 to index
    %swap3A_67 = arith.constant 32 : index
    %swap3A_68 = tpu.vector_load %arg7[%swap3A_66, %swap3A_67] {strides = array<i32>} : memref<200x128xi32, #tpu.memory_space<vmem>>, vector<16xi32>,
    tpu.vector_store %arg7[%swap3A_66, %swap3A_67], %gather3A_64 {strides = array<i32>} : memref<200x128xi32, #tpu.memory_space<vmem>>, vector<16xi32>,
    %add3A_69 = arith.constant 48 : i32
    %add3A_70 = vector.broadcast %add3A_69 : i32 to vector<16xi32>
    %add3A_71 = arith.addi %iota3A, %add3A_70 : vector<16xi32>
    %gather3A_72 = tpu.vector_load_idx %arg6[%add3A_71, %add3A_46] : memref<128x201xi32, #tpu.memory_space<vmem>>[vector<16xi32>, vector<16xi32>], vector<16xi32>,
    %swap3A_73 = arith.constant 0 : i32
    %swap3A_74 = arith.index_cast %swap3A_73 : i32 to index
    %swap3A_75 = arith.constant 48 : index
    %swap3A_76 = tpu.vector_load %arg7[%swap3A_74, %swap3A_75] {strides = array<i32>} : memref<200x128xi32, #tpu.memory_space<vmem>>, vector<16xi32>,
    tpu.vector_store %arg7[%swap3A_74, %swap3A_75], %gather3A_72 {strides = array<i32>} : memref<200x128xi32, #tpu.memory_space<vmem>>, vector<16xi32>,
    %add3A_77 = arith.constant 64 : i32
    %add3A_78 = vector.broadcast %add3A_77 : i32 to vector<16xi32>
    %add3A_79 = arith.addi %iota3A, %add3A_78 : vector<16xi32>
    %gather3A_80 = tpu.vector_load_idx %arg6[%add3A_79, %add3A_46] : memref<128x201xi32, #tpu.memory_space<vmem>>[vector<16xi32>, vector<16xi32>], vector<16xi32>,
    %swap3A_81 = arith.constant 0 : i32
    %swap3A_82 = arith.index_cast %swap3A_81 : i32 to index
    %swap3A_83 = arith.constant 64 : index
    %swap3A_84 = tpu.vector_load %arg7[%swap3A_82, %swap3A_83] {strides = array<i32>} : memref<200x128xi32, #tpu.memory_space<vmem>>, vector<16xi32>,
    tpu.vector_store %arg7[%swap3A_82, %swap3A_83], %gather3A_80 {strides = array<i32>} : memref<200x128xi32, #tpu.memory_space<vmem>>, vector<16xi32>,
    %add3A_85 = arith.constant 80 : i32
    %add3A_86 = vector.broadcast %add3A_85 : i32 to vector<16xi32>
    %add3A_87 = arith.addi %iota3A, %add3A_86 : vector<16xi32>
    %gather3A_88 = tpu.vector_load_idx %arg6[%add3A_87, %add3A_46] : memref<128x201xi32, #tpu.memory_space<vmem>>[vector<16xi32>, vector<16xi32>], vector<16xi32>,
    %swap3A_89 = arith.constant 0 : i32
    %swap3A_90 = arith.index_cast %swap3A_89 : i32 to index
    %swap3A_91 = arith.constant 80 : index
    %swap3A_92 = tpu.vector_load %arg7[%swap3A_90, %swap3A_91] {strides = array<i32>} : memref<200x128xi32, #tpu.memory_space<vmem>>, vector<16xi32>,
    tpu.vector_store %arg7[%swap3A_90, %swap3A_91], %gather3A_88 {strides = array<i32>} : memref<200x128xi32, #tpu.memory_space<vmem>>, vector<16xi32>,
    %add3A_93 = arith.constant 96 : i32
    %add3A_94 = vector.broadcast %add3A_93 : i32 to vector<16xi32>
    %add3A_95 = arith.addi %iota3A, %add3A_94 : vector<16xi32>
    %gather3A_96 = tpu.vector_load_idx %arg6[%add3A_95, %add3A_46] : memref<128x201xi32, #tpu.memory_space<vmem>>[vector<16xi32>, vector<16xi32>], vector<16xi32>,
    %swap3A_97 = arith.constant 0 : i32
    %swap3A_98 = arith.index_cast %swap3A_97 : i32 to index
    %swap3A_99 = arith.constant 96 : index
    %swap3A_100 = tpu.vector_load %arg7[%swap3A_98, %swap3A_99] {strides = array<i32>} : memref<200x128xi32, #tpu.memory_space<vmem>>, vector<16xi32>,
    tpu.vector_store %arg7[%swap3A_98, %swap3A_99], %gather3A_96 {strides = array<i32>} : memref<200x128xi32, #tpu.memory_space<vmem>>, vector<16xi32>,
    %add3A_101 = arith.constant 112 : i32
    %add3A_102 = vector.broadcast %add3A_101 : i32 to vector<16xi32>
    %add3A_103 = arith.addi %iota3A, %add3A_102 : vector<16xi32>
    %gather3A_104 = tpu.vector_load_idx %arg6[%add3A_103, %add3A_46] : memref<128x201xi32, #tpu.memory_space<vmem>>[vector<16xi32>, vector<16xi32>], vector<16xi32>,
    %swap3A_105 = arith.constant 0 : i32
    %swap3A_106 = arith.index_cast %swap3A_105 : i32 to index
    %swap3A_107 = arith.constant 112 : index
    %swap3A_108 = tpu.vector_load %arg7[%swap3A_106, %swap3A_107] {strides = array<i32>} : memref<200x128xi32, #tpu.memory_space<vmem>>, vector<16xi32>,
    tpu.vector_store %arg7[%swap3A_106, %swap3A_107], %gather3A_104 {strides = array<i32>} : memref<200x128xi32, #tpu.memory_space<vmem>>, vector<16xi32>,
    %dma_start3A = arith.constant 0 : i32
    %dma_start3A_109 = arith.constant 0 : i32
    %dma_start3A_110 = tpu.memref_slice %arg7[%dma_start3A, %dma_start3A_109] : memref<200x128xi32, #tpu.memory_space<vmem>> -> memref<1x128xi32, #tpu.memory_space<vmem>>
    %dma_start3A_111 = tpu.memref_squeeze %dma_start3A_110 : memref<1x128xi32, #tpu.memory_space<vmem>> -> memref<128xi32, #tpu.memory_space<vmem>>
    %dma_start3A_112 = arith.constant 0 : i32
    %dma_start3A_113 = arith.constant 0 : i32
    %dma_start3A_114 = tpu.memref_slice %arg3[%dma_start3A_112, %dma_start3A_113] : memref<1000000x64xf32, #tpu.memory_space<hbm>> -> memref<1000000x64xf32, #tpu.memory_space<hbm>>
    tpu.enqueue_indirect_dma source(%dma_start3A_114 : memref<1000000x64xf32, #tpu.memory_space<hbm>>) target(%arg9 : memref<128x64xf32, #tpu.memory_space<vmem>>) offsets(%dma_start3A_111 : memref<128xi32, #tpu.memory_space<vmem>>) semaphore(%arg13 : memref<!tpu.dma_semaphore, #tpu.memory_space<semaphore_mem>>)
    %scan3A = arith.constant 0 : i32
    %scan3A_115 = arith.constant 100 : i32
    %scan3A_116 = arith.addi %scan3A, %scan3A_115 : i32
    %scan3A_117 = arith.constant 1 : i32
    scf.for %scan3A_156 = %scan3A to %scan3A_116 step %scan3A_117  : i32 {
      %mul3A_157 = arith.constant 2 : i32
      %mul3A_158 = arith.muli %scan3A_156, %mul3A_157 : i32
      %add3A_159 = arith.constant 0 : i32
      %add3A_160 = arith.addi %add3A_159, %mul3A_158 : i32
      %add3A_161 = arith.constant 0 : i32
      %add3A_162 = arith.addi %add3A_160, %add3A_161 : i32
      %add3A_163 = arith.constant 1 : i32
      %add3A_164 = arith.addi %add3A_162, %add3A_163 : i32
      %lt3A = arith.constant 200 : i32
      %lt3A_165 = arith.cmpi slt, %add3A_164, %lt3A : i32
      %convert_element_type3A = arith.extui %lt3A_165 : i1 to i32
      %cond3A = arith.constant 0 : i32
      %cond3A_166 = arith.cmpi ne, %convert_element_type3A, %cond3A : i32
      scf.if %cond3A_166 {
        %add3A_261 = arith.constant 1 : i32
        %add3A_262 = arith.addi %add3A_162, %add3A_261 : i32
        %mul3A_263 = arith.constant 0 : i32
        %mul3A_264 = vector.broadcast %mul3A_263 : i32 to vector<16xi32>
        %mul3A_265 = arith.muli %iota3A, %mul3A_264 : vector<16xi32>
        %add3A_266 = vector.broadcast %add3A_262 : i32 to vector<16xi32>
        %add3A_267 = arith.addi %mul3A_265, %add3A_266 : vector<16xi32>
        %add3A_268 = arith.constant 0 : i32
        %add3A_269 = vector.broadcast %add3A_268 : i32 to vector<16xi32>
        %add3A_270 = arith.addi %iota3A, %add3A_269 : vector<16xi32>
        %gather3A_271 = tpu.vector_load_idx %arg6[%add3A_270, %add3A_267] : memref<128x201xi32, #tpu.memory_space<vmem>>[vector<16xi32>, vector<16xi32>], vector<16xi32>,
        %swap3A_272 = arith.index_cast %add3A_262 : i32 to index
        %swap3A_273 = arith.constant 0 : index
        %swap3A_274 = tpu.vector_load %arg7[%swap3A_272, %swap3A_273] {strides = array<i32>} : memref<200x128xi32, #tpu.memory_space<vmem>>, vector<16xi32>,
        tpu.vector_store %arg7[%swap3A_272, %swap3A_273], %gather3A_271 {strides = array<i32>} : memref<200x128xi32, #tpu.memory_space<vmem>>, vector<16xi32>,
        %add3A_275 = arith.constant 16 : i32
        %add3A_276 = vector.broadcast %add3A_275 : i32 to vector<16xi32>
        %add3A_277 = arith.addi %iota3A, %add3A_276 : vector<16xi32>
        %gather3A_278 = tpu.vector_load_idx %arg6[%add3A_277, %add3A_267] : memref<128x201xi32, #tpu.memory_space<vmem>>[vector<16xi32>, vector<16xi32>], vector<16xi32>,
        %swap3A_279 = arith.index_cast %add3A_262 : i32 to index
        %swap3A_280 = arith.constant 16 : index
        %swap3A_281 = tpu.vector_load %arg7[%swap3A_279, %swap3A_280] {strides = array<i32>} : memref<200x128xi32, #tpu.memory_space<vmem>>, vector<16xi32>,
        tpu.vector_store %arg7[%swap3A_279, %swap3A_280], %gather3A_278 {strides = array<i32>} : memref<200x128xi32, #tpu.memory_space<vmem>>, vector<16xi32>,
        %add3A_282 = arith.constant 32 : i32
        %add3A_283 = vector.broadcast %add3A_282 : i32 to vector<16xi32>
        %add3A_284 = arith.addi %iota3A, %add3A_283 : vector<16xi32>
        %gather3A_285 = tpu.vector_load_idx %arg6[%add3A_284, %add3A_267] : memref<128x201xi32, #tpu.memory_space<vmem>>[vector<16xi32>, vector<16xi32>], vector<16xi32>,
        %swap3A_286 = arith.index_cast %add3A_262 : i32 to index
        %swap3A_287 = arith.constant 32 : index
        %swap3A_288 = tpu.vector_load %arg7[%swap3A_286, %swap3A_287] {strides = array<i32>} : memref<200x128xi32, #tpu.memory_space<vmem>>, vector<16xi32>,
        tpu.vector_store %arg7[%swap3A_286, %swap3A_287], %gather3A_285 {strides = array<i32>} : memref<200x128xi32, #tpu.memory_space<vmem>>, vector<16xi32>,
        %add3A_289 = arith.constant 48 : i32
        %add3A_290 = vector.broadcast %add3A_289 : i32 to vector<16xi32>
        %add3A_291 = arith.addi %iota3A, %add3A_290 : vector<16xi32>
        %gather3A_292 = tpu.vector_load_idx %arg6[%add3A_291, %add3A_267] : memref<128x201xi32, #tpu.memory_space<vmem>>[vector<16xi32>, vector<16xi32>], vector<16xi32>,
        %swap3A_293 = arith.index_cast %add3A_262 : i32 to index
        %swap3A_294 = arith.constant 48 : index
        %swap3A_295 = tpu.vector_load %arg7[%swap3A_293, %swap3A_294] {strides = array<i32>} : memref<200x128xi32, #tpu.memory_space<vmem>>, vector<16xi32>,
        tpu.vector_store %arg7[%swap3A_293, %swap3A_294], %gather3A_292 {strides = array<i32>} : memref<200x128xi32, #tpu.memory_space<vmem>>, vector<16xi32>,
        %add3A_296 = arith.constant 64 : i32
        %add3A_297 = vector.broadcast %add3A_296 : i32 to vector<16xi32>
        %add3A_298 = arith.addi %iota3A, %add3A_297 : vector<16xi32>
        %gather3A_299 = tpu.vector_load_idx %arg6[%add3A_298, %add3A_267] : memref<128x201xi32, #tpu.memory_space<vmem>>[vector<16xi32>, vector<16xi32>], vector<16xi32>,
        %swap3A_300 = arith.index_cast %add3A_262 : i32 to index
        %swap3A_301 = arith.constant 64 : index
        %swap3A_302 = tpu.vector_load %arg7[%swap3A_300, %swap3A_301] {strides = array<i32>} : memref<200x128xi32, #tpu.memory_space<vmem>>, vector<16xi32>,
        tpu.vector_store %arg7[%swap3A_300, %swap3A_301], %gather3A_299 {strides = array<i32>} : memref<200x128xi32, #tpu.memory_space<vmem>>, vector<16xi32>,
        %add3A_303 = arith.constant 80 : i32
        %add3A_304 = vector.broadcast %add3A_303 : i32 to vector<16xi32>
        %add3A_305 = arith.addi %iota3A, %add3A_304 : vector<16xi32>
        %gather3A_306 = tpu.vector_load_idx %arg6[%add3A_305, %add3A_267] : memref<128x201xi32, #tpu.memory_space<vmem>>[vector<16xi32>, vector<16xi32>], vector<16xi32>,
        %swap3A_307 = arith.index_cast %add3A_262 : i32 to index
        %swap3A_308 = arith.constant 80 : index
        %swap3A_309 = tpu.vector_load %arg7[%swap3A_307, %swap3A_308] {strides = array<i32>} : memref<200x128xi32, #tpu.memory_space<vmem>>, vector<16xi32>,
        tpu.vector_store %arg7[%swap3A_307, %swap3A_308], %gather3A_306 {strides = array<i32>} : memref<200x128xi32, #tpu.memory_space<vmem>>, vector<16xi32>,
        %add3A_310 = arith.constant 96 : i32
        %add3A_311 = vector.broadcast %add3A_310 : i32 to vector<16xi32>
        %add3A_312 = arith.addi %iota3A, %add3A_311 : vector<16xi32>
        %gather3A_313 = tpu.vector_load_idx %arg6[%add3A_312, %add3A_267] : memref<128x201xi32, #tpu.memory_space<vmem>>[vector<16xi32>, vector<16xi32>], vector<16xi32>,
        %swap3A_314 = arith.index_cast %add3A_262 : i32 to index
        %swap3A_315 = arith.constant 96 : index
        %swap3A_316 = tpu.vector_load %arg7[%swap3A_314, %swap3A_315] {strides = array<i32>} : memref<200x128xi32, #tpu.memory_space<vmem>>, vector<16xi32>,
        tpu.vector_store %arg7[%swap3A_314, %swap3A_315], %gather3A_313 {strides = array<i32>} : memref<200x128xi32, #tpu.memory_space<vmem>>, vector<16xi32>,
        %add3A_317 = arith.constant 112 : i32
        %add3A_318 = vector.broadcast %add3A_317 : i32 to vector<16xi32>
        %add3A_319 = arith.addi %iota3A, %add3A_318 : vector<16xi32>
        %gather3A_320 = tpu.vector_load_idx %arg6[%add3A_319, %add3A_267] : memref<128x201xi32, #tpu.memory_space<vmem>>[vector<16xi32>, vector<16xi32>], vector<16xi32>,
        %swap3A_321 = arith.index_cast %add3A_262 : i32 to index
        %swap3A_322 = arith.constant 112 : index
        %swap3A_323 = tpu.vector_load %arg7[%swap3A_321, %swap3A_322] {strides = array<i32>} : memref<200x128xi32, #tpu.memory_space<vmem>>, vector<16xi32>,
        tpu.vector_store %arg7[%swap3A_321, %swap3A_322], %gather3A_320 {strides = array<i32>} : memref<200x128xi32, #tpu.memory_space<vmem>>, vector<16xi32>,
        %add3A_324 = arith.constant 1 : i32
        %add3A_325 = arith.addi %add3A_162, %add3A_324 : i32
        %dma_start3A_326 = arith.constant 0 : i32
        %dma_start3A_327 = tpu.memref_slice %arg7[%add3A_325, %dma_start3A_326] : memref<200x128xi32, #tpu.memory_space<vmem>> -> memref<1x128xi32, #tpu.memory_space<vmem>>
        %dma_start3A_328 = tpu.memref_squeeze %dma_start3A_327 : memref<1x128xi32, #tpu.memory_space<vmem>> -> memref<128xi32, #tpu.memory_space<vmem>>
        %dma_start3A_329 = arith.constant 0 : i32
        %dma_start3A_330 = arith.constant 0 : i32
        %dma_start3A_331 = tpu.memref_slice %arg3[%dma_start3A_329, %dma_start3A_330] : memref<1000000x64xf32, #tpu.memory_space<hbm>> -> memref<1000000x64xf32, #tpu.memory_space<hbm>>
        tpu.enqueue_indirect_dma source(%dma_start3A_331 : memref<1000000x64xf32, #tpu.memory_space<hbm>>) target(%arg10 : memref<128x64xf32, #tpu.memory_space<vmem>>) offsets(%dma_start3A_328 : memref<128xi32, #tpu.memory_space<vmem>>) semaphore(%arg13 : memref<!tpu.dma_semaphore, #tpu.memory_space<semaphore_mem>>)
      } else {
      }
      %dma_wait3A_167 = arith.constant 0 : i32
      %dma_wait3A_168 = tpu.memref_slice %arg7[%add3A_162, %dma_wait3A_167] : memref<200x128xi32, #tpu.memory_space<vmem>> -> memref<1x128xi32, #tpu.memory_space<vmem>>
      %dma_wait3A_169 = tpu.memref_squeeze %dma_wait3A_168 : memref<1x128xi32, #tpu.memory_space<vmem>> -> memref<128xi32, #tpu.memory_space<vmem>>
      %dma_wait3A_170 = arith.constant 0 : i32
      %dma_wait3A_171 = arith.constant 0 : i32
      %dma_wait3A_172 = tpu.memref_slice %arg3[%dma_wait3A_170, %dma_wait3A_171] : memref<1000000x64xf32, #tpu.memory_space<hbm>> -> memref<1000000x64xf32, #tpu.memory_space<hbm>>
      tpu.wait_indirect_dma semaphore(%arg13 : memref<!tpu.dma_semaphore, #tpu.memory_space<semaphore_mem>>) src(%dma_wait3A_172 : memref<1000000x64xf32, #tpu.memory_space<hbm>>) dst(%arg9 : memref<128x64xf32, #tpu.memory_space<vmem>>)
      %ge3A = arith.constant 2 : i32
      %ge3A_173 = arith.cmpi sge, %add3A_162, %ge3A : i32
      %convert_element_type3A_174 = arith.extui %ge3A_173 : i1 to i32
      %cond3A_175 = arith.constant 0 : i32
      %cond3A_176 = arith.cmpi ne, %convert_element_type3A_174, %cond3A_175 : i32
      scf.if %cond3A_176 {
        %sub3A_261 = arith.constant 2 : i32
        %sub3A_262 = arith.subi %add3A_162, %sub3A_261 : i32
        %dma_wait3A_263 = arith.constant 0 : i32
        %dma_wait3A_264 = arith.constant 0 : i32
        %dma_wait3A_265 = arith.constant 0 : i32
        %dma_wait3A_266 = tpu.memref_slice %arg11[%dma_wait3A_263, %dma_wait3A_264, %dma_wait3A_265] : memref<8x8x129xf32, #tpu.memory_space<vmem>> -> memref<8x8x128xf32, #tpu.memory_space<vmem>>
        %dma_wait3A_267 = arith.constant 0 : i32
        %dma_wait3A_268 = arith.constant 0 : i32
        %dma_wait3A_269 = arith.constant 0 : i32
        %dma_wait3A_270 = tpu.memref_slice %arg5[%sub3A_262, %dma_wait3A_267, %add3A, %dma_wait3A_268, %dma_wait3A_269] : memref<200x8x32x8x128xf32, #tpu.memory_space<hbm>> -> memref<1x8x1x8x128xf32, #tpu.memory_space<hbm>>
        %dma_wait3A_271 = tpu.memref_squeeze %dma_wait3A_270 : memref<1x8x1x8x128xf32, #tpu.memory_space<hbm>> -> memref<8x8x128xf32, #tpu.memory_space<hbm>>
        %dma_wait3A_272 = arith.constant 0 : i32
        %dma_wait3A_273 = arith.constant 0 : i32
        %dma_wait3A_274 = arith.constant 0 : i32
        %dma_wait3A_275 = tpu.memref_slice %arg5[%sub3A_262, %dma_wait3A_272, %add3A, %dma_wait3A_273, %dma_wait3A_274] : memref<200x8x32x8x128xf32, #tpu.memory_space<hbm>> -> memref<1x8x1x8x128xf32, #tpu.memory_space<hbm>>
        %dma_wait3A_276 = tpu.memref_squeeze %dma_wait3A_275 : memref<1x8x1x8x128xf32, #tpu.memory_space<hbm>> -> memref<8x8x128xf32, #tpu.memory_space<hbm>>
        %dma_wait3A_277 = arith.constant 0 : i32
        %dma_wait3A_278 = arith.constant 0 : i32
        %dma_wait3A_279 = arith.constant 0 : i32
        %dma_wait3A_280 = tpu.memref_slice %arg11[%dma_wait3A_277, %dma_wait3A_278, %dma_wait3A_279] : memref<8x8x129xf32, #tpu.memory_space<vmem>> -> memref<8x8x128xf32, #tpu.memory_space<vmem>>
        tpu.wait_dma2 semaphore(%arg14 : memref<!tpu.dma_semaphore, #tpu.memory_space<semaphore_mem>>) src(%dma_wait3A_280 : memref<8x8x128xf32, #tpu.memory_space<vmem>>) dst(%dma_wait3A_276 : memref<8x8x128xf32, #tpu.memory_space<hbm>>)
      } else {
      }
      %get3A = arith.index_cast %add3A_162 : i32 to index
      %get3A_177 = arith.constant 0 : index
      %get3A_178 = tpu.vector_load %arg8[%get3A, %get3A_177] {strides = array<i32>} : memref<200x64xf32, #tpu.memory_space<vmem>>, vector<16xf32>,
      %get3A_179 = arith.index_cast %add3A_162 : i32 to index
      %get3A_180 = arith.constant 16 : index
      %get3A_181 = tpu.vector_load %arg8[%get3A_179, %get3A_180] {strides = array<i32>} : memref<200x64xf32, #tpu.memory_space<vmem>>, vector<16xf32>,
      %get3A_182 = arith.index_cast %add3A_162 : i32 to index
      %get3A_183 = arith.constant 32 : index
      %get3A_184 = tpu.vector_load %arg8[%get3A_182, %get3A_183] {strides = array<i32>} : memref<200x64xf32, #tpu.memory_space<vmem>>, vector<16xf32>,
      %get3A_185 = arith.index_cast %add3A_162 : i32 to index
      %get3A_186 = arith.constant 48 : index
      %get3A_187 = tpu.vector_load %arg8[%get3A_185, %get3A_186] {strides = array<i32>} : memref<200x64xf32, #tpu.memory_space<vmem>>, vector<16xf32>,
      %parallel_loop3A = arith.constant 0 : i32
      %parallel_loop3A_188 = arith.constant 128 : i32
      %parallel_loop3A_189 = arith.constant 1 : i32
      scf.for %parallel_loop3A_261 = %parallel_loop3A to %parallel_loop3A_188 step %parallel_loop3A_189  : i32 {
        %parallel_loop3A_262 = arith.constant 0 : i32
        %parallel_loop3A_263 = vector.broadcast %parallel_loop3A_262 : i32 to vector<16xi32>
        %parallel_loop3A_264 = arith.muli %iota3A, %parallel_loop3A_263 : vector<16xi32>
        %parallel_loop3A_265 = vector.broadcast %parallel_loop3A_261 : i32 to vector<16xi32>
        %parallel_loop3A_266 = arith.addi %parallel_loop3A_264, %parallel_loop3A_265 : vector<16xi32>
        %parallel_loop3A_267 = arith.index_cast %parallel_loop3A_261 : i32 to index
        %parallel_loop3A_268 = arith.constant 0 : index
        %parallel_loop3A_269 = tpu.vector_load %arg9[%parallel_loop3A_267, %parallel_loop3A_268] {strides = array<i32>} : memref<128x64xf32, #tpu.memory_space<vmem>>, vector<16xf32>,
        %parallel_loop3A_270 = arith.index_cast %parallel_loop3A_261 : i32 to index
        %parallel_loop3A_271 = arith.constant 16 : index
        %parallel_loop3A_272 = tpu.vector_load %arg9[%parallel_loop3A_270, %parallel_loop3A_271] {strides = array<i32>} : memref<128x64xf32, #tpu.memory_space<vmem>>, vector<16xf32>,
        %parallel_loop3A_273 = arith.index_cast %parallel_loop3A_261 : i32 to index
        %parallel_loop3A_274 = arith.constant 32 : index
        %parallel_loop3A_275 = tpu.vector_load %arg9[%parallel_loop3A_273, %parallel_loop3A_274] {strides = array<i32>} : memref<128x64xf32, #tpu.memory_space<vmem>>, vector<16xf32>,
        %parallel_loop3A_276 = arith.index_cast %parallel_loop3A_261 : i32 to index
        %parallel_loop3A_277 = arith.constant 48 : index
        %parallel_loop3A_278 = tpu.vector_load %arg9[%parallel_loop3A_276, %parallel_loop3A_277] {strides = array<i32>} : memref<128x64xf32, #tpu.memory_space<vmem>>, vector<16xf32>,
        %parallel_loop3A_279 = arith.constant 8.000000e+00 : f32
        %parallel_loop3A_280 = vector.broadcast %parallel_loop3A_279 : f32 to vector<16xf32>
        %parallel_loop3A_281 = arith.mulf %parallel_loop3A_269, %parallel_loop3A_280 : vector<16xf32>
        %parallel_loop3A_282 = arith.addf %parallel_loop3A_281, %get3A_178 : vector<16xf32>
        tpu.vector_store_idx %arg11[%div3A_7, %sub3A, %parallel_loop3A_266], %parallel_loop3A_282 : memref<8x8x129xf32, #tpu.memory_space<vmem>>[vector<16xi32>, vector<16xi32>, vector<16xi32>], vector<16xf32>,
        %parallel_loop3A_283 = arith.constant 8.000000e+00 : f32
        %parallel_loop3A_284 = vector.broadcast %parallel_loop3A_283 : f32 to vector<16xf32>
        %parallel_loop3A_285 = arith.mulf %parallel_loop3A_272, %parallel_loop3A_284 : vector<16xf32>
        %parallel_loop3A_286 = arith.addf %parallel_loop3A_285, %get3A_181 : vector<16xf32>
        tpu.vector_store_idx %arg11[%div3A_16, %sub3A_20, %parallel_loop3A_266], %parallel_loop3A_286 : memref<8x8x129xf32, #tpu.memory_space<vmem>>[vector<16xi32>, vector<16xi32>, vector<16xi32>], vector<16xf32>,
        %parallel_loop3A_287 = arith.constant 8.000000e+00 : f32
        %parallel_loop3A_288 = vector.broadcast %parallel_loop3A_287 : f32 to vector<16xf32>
        %parallel_loop3A_289 = arith.mulf %parallel_loop3A_275, %parallel_loop3A_288 : vector<16xf32>
        %parallel_loop3A_290 = arith.addf %parallel_loop3A_289, %get3A_184 : vector<16xf32>
        tpu.vector_store_idx %arg11[%div3A_26, %sub3A_30, %parallel_loop3A_266], %parallel_loop3A_290 : memref<8x8x129xf32, #tpu.memory_space<vmem>>[vector<16xi32>, vector<16xi32>, vector<16xi32>], vector<16xf32>,
        %parallel_loop3A_291 = arith.constant 8.000000e+00 : f32
        %parallel_loop3A_292 = vector.broadcast %parallel_loop3A_291 : f32 to vector<16xf32>
        %parallel_loop3A_293 = arith.mulf %parallel_loop3A_278, %parallel_loop3A_292 : vector<16xf32>
        %parallel_loop3A_294 = arith.addf %parallel_loop3A_293, %get3A_187 : vector<16xf32>
        tpu.vector_store_idx %arg11[%div3A_36, %sub3A_40, %parallel_loop3A_266], %parallel_loop3A_294 : memref<8x8x129xf32, #tpu.memory_space<vmem>>[vector<16xi32>, vector<16xi32>, vector<16xi32>], vector<16xf32>,
      } {sc.loop_unroll_factor = 4 : i64, sc.parallel_access}
      %dma_start3A_190 = arith.constant 0 : i32
      %dma_start3A_191 = arith.constant 0 : i32
      %dma_start3A_192 = arith.constant 0 : i32
      %dma_start3A_193 = tpu.memref_slice %arg11[%dma_start3A_190, %dma_start3A_191, %dma_start3A_192] : memref<8x8x129xf32, #tpu.memory_space<vmem>> -> memref<8x8x128xf32, #tpu.memory_space<vmem>>
      %dma_start3A_194 = arith.constant 0 : i32
      %dma_start3A_195 = arith.constant 0 : i32
      %dma_start3A_196 = arith.constant 0 : i32
      %dma_start3A_197 = tpu.memref_slice %arg5[%add3A_162, %dma_start3A_194, %add3A, %dma_start3A_195, %dma_start3A_196] : memref<200x8x32x8x128xf32, #tpu.memory_space<hbm>> -> memref<1x8x1x8x128xf32, #tpu.memory_space<hbm>>
      %dma_start3A_198 = tpu.memref_squeeze %dma_start3A_197 : memref<1x8x1x8x128xf32, #tpu.memory_space<hbm>> -> memref<8x8x128xf32, #tpu.memory_space<hbm>>
      %dma_start3A_199 = arith.constant 0 : i32
      %dma_start3A_200 = arith.constant 0 : i32
      %dma_start3A_201 = arith.constant 0 : i32
      %dma_start3A_202 = tpu.memref_slice %arg5[%add3A_162, %dma_start3A_199, %add3A, %dma_start3A_200, %dma_start3A_201] : memref<200x8x32x8x128xf32, #tpu.memory_space<hbm>> -> memref<1x8x1x8x128xf32, #tpu.memory_space<hbm>>
      %dma_start3A_203 = tpu.memref_squeeze %dma_start3A_202 : memref<1x8x1x8x128xf32, #tpu.memory_space<hbm>> -> memref<8x8x128xf32, #tpu.memory_space<hbm>>
      %dma_start3A_204 = arith.constant 0 : i32
      %dma_start3A_205 = arith.constant 0 : i32
      %dma_start3A_206 = arith.constant 0 : i32
      %dma_start3A_207 = tpu.memref_slice %arg11[%dma_start3A_204, %dma_start3A_205, %dma_start3A_206] : memref<8x8x129xf32, #tpu.memory_space<vmem>> -> memref<8x8x128xf32, #tpu.memory_space<vmem>>
      tpu.enqueue_dma source(%dma_start3A_207 : memref<8x8x128xf32, #tpu.memory_space<vmem>>) target(%dma_start3A_203 : memref<8x8x128xf32, #tpu.memory_space<hbm>>) target_semaphore(%arg14 : memref<!tpu.dma_semaphore, #tpu.memory_space<semaphore_mem>>)
      %add3A_208 = arith.constant 1 : i32
      %add3A_209 = arith.addi %add3A_160, %add3A_208 : i32
      %add3A_210 = arith.constant 1 : i32
      %add3A_211 = arith.addi %add3A_209, %add3A_210 : i32
      %lt3A_212 = arith.constant 200 : i32
      %lt3A_213 = arith.cmpi slt, %add3A_211, %lt3A_212 : i32
      %convert_element_type3A_214 = arith.extui %lt3A_213 : i1 to i32
      %cond3A_215 = arith.constant 0 : i32
      %cond3A_216 = arith.cmpi ne, %convert_element_type3A_214, %cond3A_215 : i32
      scf.if %cond3A_216 {
        %add3A_261 = arith.constant 1 : i32
        %add3A_262 = arith.addi %add3A_209, %add3A_261 : i32
        %mul3A_263 = arith.constant 0 : i32
        %mul3A_264 = vector.broadcast %mul3A_263 : i32 to vector<16xi32>
        %mul3A_265 = arith.muli %iota3A, %mul3A_264 : vector<16xi32>
        %add3A_266 = vector.broadcast %add3A_262 : i32 to vector<16xi32>
        %add3A_267 = arith.addi %mul3A_265, %add3A_266 : vector<16xi32>
        %add3A_268 = arith.constant 0 : i32
        %add3A_269 = vector.broadcast %add3A_268 : i32 to vector<16xi32>
        %add3A_270 = arith.addi %iota3A, %add3A_269 : vector<16xi32>
        %gather3A_271 = tpu.vector_load_idx %arg6[%add3A_270, %add3A_267] : memref<128x201xi32, #tpu.memory_space<vmem>>[vector<16xi32>, vector<16xi32>], vector<16xi32>,
        %swap3A_272 = arith.index_cast %add3A_262 : i32 to index
        %swap3A_273 = arith.constant 0 : index
        %swap3A_274 = tpu.vector_load %arg7[%swap3A_272, %swap3A_273] {strides = array<i32>} : memref<200x128xi32, #tpu.memory_space<vmem>>, vector<16xi32>,
        tpu.vector_store %arg7[%swap3A_272, %swap3A_273], %gather3A_271 {strides = array<i32>} : memref<200x128xi32, #tpu.memory_space<vmem>>, vector<16xi32>,
        %add3A_275 = arith.constant 16 : i32
        %add3A_276 = vector.broadcast %add3A_275 : i32 to vector<16xi32>
        %add3A_277 = arith.addi %iota3A, %add3A_276 : vector<16xi32>
        %gather3A_278 = tpu.vector_load_idx %arg6[%add3A_277, %add3A_267] : memref<128x201xi32, #tpu.memory_space<vmem>>[vector<16xi32>, vector<16xi32>], vector<16xi32>,
        %swap3A_279 = arith.index_cast %add3A_262 : i32 to index
        %swap3A_280 = arith.constant 16 : index
        %swap3A_281 = tpu.vector_load %arg7[%swap3A_279, %swap3A_280] {strides = array<i32>} : memref<200x128xi32, #tpu.memory_space<vmem>>, vector<16xi32>,
        tpu.vector_store %arg7[%swap3A_279, %swap3A_280], %gather3A_278 {strides = array<i32>} : memref<200x128xi32, #tpu.memory_space<vmem>>, vector<16xi32>,
        %add3A_282 = arith.constant 32 : i32
        %add3A_283 = vector.broadcast %add3A_282 : i32 to vector<16xi32>
        %add3A_284 = arith.addi %iota3A, %add3A_283 : vector<16xi32>
        %gather3A_285 = tpu.vector_load_idx %arg6[%add3A_284, %add3A_267] : memref<128x201xi32, #tpu.memory_space<vmem>>[vector<16xi32>, vector<16xi32>], vector<16xi32>,
        %swap3A_286 = arith.index_cast %add3A_262 : i32 to index
        %swap3A_287 = arith.constant 32 : index
        %swap3A_288 = tpu.vector_load %arg7[%swap3A_286, %swap3A_287] {strides = array<i32>} : memref<200x128xi32, #tpu.memory_space<vmem>>, vector<16xi32>,
        tpu.vector_store %arg7[%swap3A_286, %swap3A_287], %gather3A_285 {strides = array<i32>} : memref<200x128xi32, #tpu.memory_space<vmem>>, vector<16xi32>,
        %add3A_289 = arith.constant 48 : i32
        %add3A_290 = vector.broadcast %add3A_289 : i32 to vector<16xi32>
        %add3A_291 = arith.addi %iota3A, %add3A_290 : vector<16xi32>
        %gather3A_292 = tpu.vector_load_idx %arg6[%add3A_291, %add3A_267] : memref<128x201xi32, #tpu.memory_space<vmem>>[vector<16xi32>, vector<16xi32>], vector<16xi32>,
        %swap3A_293 = arith.index_cast %add3A_262 : i32 to index
        %swap3A_294 = arith.constant 48 : index
        %swap3A_295 = tpu.vector_load %arg7[%swap3A_293, %swap3A_294] {strides = array<i32>} : memref<200x128xi32, #tpu.memory_space<vmem>>, vector<16xi32>,
        tpu.vector_store %arg7[%swap3A_293, %swap3A_294], %gather3A_292 {strides = array<i32>} : memref<200x128xi32, #tpu.memory_space<vmem>>, vector<16xi32>,
        %add3A_296 = arith.constant 64 : i32
        %add3A_297 = vector.broadcast %add3A_296 : i32 to vector<16xi32>
        %add3A_298 = arith.addi %iota3A, %add3A_297 : vector<16xi32>
        %gather3A_299 = tpu.vector_load_idx %arg6[%add3A_298, %add3A_267] : memref<128x201xi32, #tpu.memory_space<vmem>>[vector<16xi32>, vector<16xi32>], vector<16xi32>,
        %swap3A_300 = arith.index_cast %add3A_262 : i32 to index
        %swap3A_301 = arith.constant 64 : index
        %swap3A_302 = tpu.vector_load %arg7[%swap3A_300, %swap3A_301] {strides = array<i32>} : memref<200x128xi32, #tpu.memory_space<vmem>>, vector<16xi32>,
        tpu.vector_store %arg7[%swap3A_300, %swap3A_301], %gather3A_299 {strides = array<i32>} : memref<200x128xi32, #tpu.memory_space<vmem>>, vector<16xi32>,
        %add3A_303 = arith.constant 80 : i32
        %add3A_304 = vector.broadcast %add3A_303 : i32 to vector<16xi32>
        %add3A_305 = arith.addi %iota3A, %add3A_304 : vector<16xi32>
        %gather3A_306 = tpu.vector_load_idx %arg6[%add3A_305, %add3A_267] : memref<128x201xi32, #tpu.memory_space<vmem>>[vector<16xi32>, vector<16xi32>], vector<16xi32>,
        %swap3A_307 = arith.index_cast %add3A_262 : i32 to index
        %swap3A_308 = arith.constant 80 : index
        %swap3A_309 = tpu.vector_load %arg7[%swap3A_307, %swap3A_308] {strides = array<i32>} : memref<200x128xi32, #tpu.memory_space<vmem>>, vector<16xi32>,
        tpu.vector_store %arg7[%swap3A_307, %swap3A_308], %gather3A_306 {strides = array<i32>} : memref<200x128xi32, #tpu.memory_space<vmem>>, vector<16xi32>,
        %add3A_310 = arith.constant 96 : i32
        %add3A_311 = vector.broadcast %add3A_310 : i32 to vector<16xi32>
        %add3A_312 = arith.addi %iota3A, %add3A_311 : vector<16xi32>
        %gather3A_313 = tpu.vector_load_idx %arg6[%add3A_312, %add3A_267] : memref<128x201xi32, #tpu.memory_space<vmem>>[vector<16xi32>, vector<16xi32>], vector<16xi32>,
        %swap3A_314 = arith.index_cast %add3A_262 : i32 to index
        %swap3A_315 = arith.constant 96 : index
        %swap3A_316 = tpu.vector_load %arg7[%swap3A_314, %swap3A_315] {strides = array<i32>} : memref<200x128xi32, #tpu.memory_space<vmem>>, vector<16xi32>,
        tpu.vector_store %arg7[%swap3A_314, %swap3A_315], %gather3A_313 {strides = array<i32>} : memref<200x128xi32, #tpu.memory_space<vmem>>, vector<16xi32>,
        %add3A_317 = arith.constant 112 : i32
        %add3A_318 = vector.broadcast %add3A_317 : i32 to vector<16xi32>
        %add3A_319 = arith.addi %iota3A, %add3A_318 : vector<16xi32>
        %gather3A_320 = tpu.vector_load_idx %arg6[%add3A_319, %add3A_267] : memref<128x201xi32, #tpu.memory_space<vmem>>[vector<16xi32>, vector<16xi32>], vector<16xi32>,
        %swap3A_321 = arith.index_cast %add3A_262 : i32 to index
        %swap3A_322 = arith.constant 112 : index
        %swap3A_323 = tpu.vector_load %arg7[%swap3A_321, %swap3A_322] {strides = array<i32>} : memref<200x128xi32, #tpu.memory_space<vmem>>, vector<16xi32>,
        tpu.vector_store %arg7[%swap3A_321, %swap3A_322], %gather3A_320 {strides = array<i32>} : memref<200x128xi32, #tpu.memory_space<vmem>>, vector<16xi32>,
        %add3A_324 = arith.constant 1 : i32
        %add3A_325 = arith.addi %add3A_209, %add3A_324 : i32
        %dma_start3A_326 = arith.constant 0 : i32
        %dma_start3A_327 = tpu.memref_slice %arg7[%add3A_325, %dma_start3A_326] : memref<200x128xi32, #tpu.memory_space<vmem>> -> memref<1x128xi32, #tpu.memory_space<vmem>>
        %dma_start3A_328 = tpu.memref_squeeze %dma_start3A_327 : memref<1x128xi32, #tpu.memory_space<vmem>> -> memref<128xi32, #tpu.memory_space<vmem>>
        %dma_start3A_329 = arith.constant 0 : i32
        %dma_start3A_330 = arith.constant 0 : i32
        %dma_start3A_331 = tpu.memref_slice %arg3[%dma_start3A_329, %dma_start3A_330] : memref<1000000x64xf32, #tpu.memory_space<hbm>> -> memref<1000000x64xf32, #tpu.memory_space<hbm>>
        tpu.enqueue_indirect_dma source(%dma_start3A_331 : memref<1000000x64xf32, #tpu.memory_space<hbm>>) target(%arg9 : memref<128x64xf32, #tpu.memory_space<vmem>>) offsets(%dma_start3A_328 : memref<128xi32, #tpu.memory_space<vmem>>) semaphore(%arg13 : memref<!tpu.dma_semaphore, #tpu.memory_space<semaphore_mem>>)
      } else {
      }
      %dma_wait3A_217 = arith.constant 0 : i32
      %dma_wait3A_218 = tpu.memref_slice %arg7[%add3A_209, %dma_wait3A_217] : memref<200x128xi32, #tpu.memory_space<vmem>> -> memref<1x128xi32, #tpu.memory_space<vmem>>
      %dma_wait3A_219 = tpu.memref_squeeze %dma_wait3A_218 : memref<1x128xi32, #tpu.memory_space<vmem>> -> memref<128xi32, #tpu.memory_space<vmem>>
      %dma_wait3A_220 = arith.constant 0 : i32
      %dma_wait3A_221 = arith.constant 0 : i32
      %dma_wait3A_222 = tpu.memref_slice %arg3[%dma_wait3A_220, %dma_wait3A_221] : memref<1000000x64xf32, #tpu.memory_space<hbm>> -> memref<1000000x64xf32, #tpu.memory_space<hbm>>
      tpu.wait_indirect_dma semaphore(%arg13 : memref<!tpu.dma_semaphore, #tpu.memory_space<semaphore_mem>>) src(%dma_wait3A_222 : memref<1000000x64xf32, #tpu.memory_space<hbm>>) dst(%arg10 : memref<128x64xf32, #tpu.memory_space<vmem>>)
      %ge3A_223 = arith.constant 2 : i32
      %ge3A_224 = arith.cmpi sge, %add3A_209, %ge3A_223 : i32
      %convert_element_type3A_225 = arith.extui %ge3A_224 : i1 to i32
      %cond3A_226 = arith.constant 0 : i32
      %cond3A_227 = arith.cmpi ne, %convert_element_type3A_225, %cond3A_226 : i32
      scf.if %cond3A_227 {
        %sub3A_261 = arith.constant 2 : i32
        %sub3A_262 = arith.subi %add3A_209, %sub3A_261 : i32
        %dma_wait3A_263 = arith.constant 0 : i32
        %dma_wait3A_264 = arith.constant 0 : i32
        %dma_wait3A_265 = arith.constant 0 : i32
        %dma_wait3A_266 = tpu.memref_slice %arg12[%dma_wait3A_263, %dma_wait3A_264, %dma_wait3A_265] : memref<8x8x129xf32, #tpu.memory_space<vmem>> -> memref<8x8x128xf32, #tpu.memory_space<vmem>>
        %dma_wait3A_267 = arith.constant 0 : i32
        %dma_wait3A_268 = arith.constant 0 : i32
        %dma_wait3A_269 = arith.constant 0 : i32
        %dma_wait3A_270 = tpu.memref_slice %arg5[%sub3A_262, %dma_wait3A_267, %add3A, %dma_wait3A_268, %dma_wait3A_269] : memref<200x8x32x8x128xf32, #tpu.memory_space<hbm>> -> memref<1x8x1x8x128xf32, #tpu.memory_space<hbm>>
        %dma_wait3A_271 = tpu.memref_squeeze %dma_wait3A_270 : memref<1x8x1x8x128xf32, #tpu.memory_space<hbm>> -> memref<8x8x128xf32, #tpu.memory_space<hbm>>
        %dma_wait3A_272 = arith.constant 0 : i32
        %dma_wait3A_273 = arith.constant 0 : i32
        %dma_wait3A_274 = arith.constant 0 : i32
        %dma_wait3A_275 = tpu.memref_slice %arg5[%sub3A_262, %dma_wait3A_272, %add3A, %dma_wait3A_273, %dma_wait3A_274] : memref<200x8x32x8x128xf32, #tpu.memory_space<hbm>> -> memref<1x8x1x8x128xf32, #tpu.memory_space<hbm>>
        %dma_wait3A_276 = tpu.memref_squeeze %dma_wait3A_275 : memref<1x8x1x8x128xf32, #tpu.memory_space<hbm>> -> memref<8x8x128xf32, #tpu.memory_space<hbm>>
        %dma_wait3A_277 = arith.constant 0 : i32
        %dma_wait3A_278 = arith.constant 0 : i32
        %dma_wait3A_279 = arith.constant 0 : i32
        %dma_wait3A_280 = tpu.memref_slice %arg12[%dma_wait3A_277, %dma_wait3A_278, %dma_wait3A_279] : memref<8x8x129xf32, #tpu.memory_space<vmem>> -> memref<8x8x128xf32, #tpu.memory_space<vmem>>
        tpu.wait_dma2 semaphore(%arg14 : memref<!tpu.dma_semaphore, #tpu.memory_space<semaphore_mem>>) src(%dma_wait3A_280 : memref<8x8x128xf32, #tpu.memory_space<vmem>>) dst(%dma_wait3A_276 : memref<8x8x128xf32, #tpu.memory_space<hbm>>)
      } else {
      }
      %get3A_228 = arith.index_cast %add3A_209 : i32 to index
      %get3A_229 = arith.constant 0 : index
      %get3A_230 = tpu.vector_load %arg8[%get3A_228, %get3A_229] {strides = array<i32>} : memref<200x64xf32, #tpu.memory_space<vmem>>, vector<16xf32>,
      %get3A_231 = arith.index_cast %add3A_209 : i32 to index
      %get3A_232 = arith.constant 16 : index
      %get3A_233 = tpu.vector_load %arg8[%get3A_231, %get3A_232] {strides = array<i32>} : memref<200x64xf32, #tpu.memory_space<vmem>>, vector<16xf32>,
      %get3A_234 = arith.index_cast %add3A_209 : i32 to index
      %get3A_235 = arith.constant 32 : index
      %get3A_236 = tpu.vector_load %arg8[%get3A_234, %get3A_235] {strides = array<i32>} : memref<200x64xf32, #tpu.memory_space<vmem>>, vector<16xf32>,
      %get3A_237 = arith.index_cast %add3A_209 : i32 to index
      %get3A_238 = arith.constant 48 : index
      %get3A_239 = tpu.vector_load %arg8[%get3A_237, %get3A_238] {strides = array<i32>} : memref<200x64xf32, #tpu.memory_space<vmem>>, vector<16xf32>,
      %parallel_loop3A_240 = arith.constant 0 : i32
      %parallel_loop3A_241 = arith.constant 128 : i32
      %parallel_loop3A_242 = arith.constant 1 : i32
      scf.for %parallel_loop3A_261 = %parallel_loop3A_240 to %parallel_loop3A_241 step %parallel_loop3A_242  : i32 {
        %parallel_loop3A_262 = arith.constant 0 : i32
        %parallel_loop3A_263 = vector.broadcast %parallel_loop3A_262 : i32 to vector<16xi32>
        %parallel_loop3A_264 = arith.muli %iota3A, %parallel_loop3A_263 : vector<16xi32>
        %parallel_loop3A_265 = vector.broadcast %parallel_loop3A_261 : i32 to vector<16xi32>
        %parallel_loop3A_266 = arith.addi %parallel_loop3A_264, %parallel_loop3A_265 : vector<16xi32>
        %parallel_loop3A_267 = arith.index_cast %parallel_loop3A_261 : i32 to index
        %parallel_loop3A_268 = arith.constant 0 : index
        %parallel_loop3A_269 = tpu.vector_load %arg10[%parallel_loop3A_267, %parallel_loop3A_268] {strides = array<i32>} : memref<128x64xf32, #tpu.memory_space<vmem>>, vector<16xf32>,
        %parallel_loop3A_270 = arith.index_cast %parallel_loop3A_261 : i32 to index
        %parallel_loop3A_271 = arith.constant 16 : index
        %parallel_loop3A_272 = tpu.vector_load %arg10[%parallel_loop3A_270, %parallel_loop3A_271] {strides = array<i32>} : memref<128x64xf32, #tpu.memory_space<vmem>>, vector<16xf32>,
        %parallel_loop3A_273 = arith.index_cast %parallel_loop3A_261 : i32 to index
        %parallel_loop3A_274 = arith.constant 32 : index
        %parallel_loop3A_275 = tpu.vector_load %arg10[%parallel_loop3A_273, %parallel_loop3A_274] {strides = array<i32>} : memref<128x64xf32, #tpu.memory_space<vmem>>, vector<16xf32>,
        %parallel_loop3A_276 = arith.index_cast %parallel_loop3A_261 : i32 to index
        %parallel_loop3A_277 = arith.constant 48 : index
        %parallel_loop3A_278 = tpu.vector_load %arg10[%parallel_loop3A_276, %parallel_loop3A_277] {strides = array<i32>} : memref<128x64xf32, #tpu.memory_space<vmem>>, vector<16xf32>,
        %parallel_loop3A_279 = arith.constant 8.000000e+00 : f32
        %parallel_loop3A_280 = vector.broadcast %parallel_loop3A_279 : f32 to vector<16xf32>
        %parallel_loop3A_281 = arith.mulf %parallel_loop3A_269, %parallel_loop3A_280 : vector<16xf32>
        %parallel_loop3A_282 = arith.addf %parallel_loop3A_281, %get3A_230 : vector<16xf32>
        tpu.vector_store_idx %arg12[%div3A_7, %sub3A, %parallel_loop3A_266], %parallel_loop3A_282 : memref<8x8x129xf32, #tpu.memory_space<vmem>>[vector<16xi32>, vector<16xi32>, vector<16xi32>], vector<16xf32>,
        %parallel_loop3A_283 = arith.constant 8.000000e+00 : f32
        %parallel_loop3A_284 = vector.broadcast %parallel_loop3A_283 : f32 to vector<16xf32>
        %parallel_loop3A_285 = arith.mulf %parallel_loop3A_272, %parallel_loop3A_284 : vector<16xf32>
        %parallel_loop3A_286 = arith.addf %parallel_loop3A_285, %get3A_233 : vector<16xf32>
        tpu.vector_store_idx %arg12[%div3A_16, %sub3A_20, %parallel_loop3A_266], %parallel_loop3A_286 : memref<8x8x129xf32, #tpu.memory_space<vmem>>[vector<16xi32>, vector<16xi32>, vector<16xi32>], vector<16xf32>,
        %parallel_loop3A_287 = arith.constant 8.000000e+00 : f32
        %parallel_loop3A_288 = vector.broadcast %parallel_loop3A_287 : f32 to vector<16xf32>
        %parallel_loop3A_289 = arith.mulf %parallel_loop3A_275, %parallel_loop3A_288 : vector<16xf32>
        %parallel_loop3A_290 = arith.addf %parallel_loop3A_289, %get3A_236 : vector<16xf32>
        tpu.vector_store_idx %arg12[%div3A_26, %sub3A_30, %parallel_loop3A_266], %parallel_loop3A_290 : memref<8x8x129xf32, #tpu.memory_space<vmem>>[vector<16xi32>, vector<16xi32>, vector<16xi32>], vector<16xf32>,
        %parallel_loop3A_291 = arith.constant 8.000000e+00 : f32
        %parallel_loop3A_292 = vector.broadcast %parallel_loop3A_291 : f32 to vector<16xf32>
        %parallel_loop3A_293 = arith.mulf %parallel_loop3A_278, %parallel_loop3A_292 : vector<16xf32>
        %parallel_loop3A_294 = arith.addf %parallel_loop3A_293, %get3A_239 : vector<16xf32>
        tpu.vector_store_idx %arg12[%div3A_36, %sub3A_40, %parallel_loop3A_266], %parallel_loop3A_294 : memref<8x8x129xf32, #tpu.memory_space<vmem>>[vector<16xi32>, vector<16xi32>, vector<16xi32>], vector<16xf32>,
      } {sc.loop_unroll_factor = 4 : i64, sc.parallel_access}
      %dma_start3A_243 = arith.constant 0 : i32
      %dma_start3A_244 = arith.constant 0 : i32
      %dma_start3A_245 = arith.constant 0 : i32
      %dma_start3A_246 = tpu.memref_slice %arg12[%dma_start3A_243, %dma_start3A_244, %dma_start3A_245] : memref<8x8x129xf32, #tpu.memory_space<vmem>> -> memref<8x8x128xf32, #tpu.memory_space<vmem>>
      %dma_start3A_247 = arith.constant 0 : i32
      %dma_start3A_248 = arith.constant 0 : i32
      %dma_start3A_249 = arith.constant 0 : i32
      %dma_start3A_250 = tpu.memref_slice %arg5[%add3A_209, %dma_start3A_247, %add3A, %dma_start3A_248, %dma_start3A_249] : memref<200x8x32x8x128xf32, #tpu.memory_space<hbm>> -> memref<1x8x1x8x128xf32, #tpu.memory_space<hbm>>
      %dma_start3A_251 = tpu.memref_squeeze %dma_start3A_250 : memref<1x8x1x8x128xf32, #tpu.memory_space<hbm>> -> memref<8x8x128xf32, #tpu.memory_space<hbm>>
      %dma_start3A_252 = arith.constant 0 : i32
      %dma_start3A_253 = arith.constant 0 : i32
      %dma_start3A_254 = arith.constant 0 : i32
      %dma_start3A_255 = tpu.memref_slice %arg5[%add3A_209, %dma_start3A_252, %add3A, %dma_start3A_253, %dma_start3A_254] : memref<200x8x32x8x128xf32, #tpu.memory_space<hbm>> -> memref<1x8x1x8x128xf32, #tpu.memory_space<hbm>>
      %dma_start3A_256 = tpu.memref_squeeze %dma_start3A_255 : memref<1x8x1x8x128xf32, #tpu.memory_space<hbm>> -> memref<8x8x128xf32, #tpu.memory_space<hbm>>
      %dma_start3A_257 = arith.constant 0 : i32
      %dma_start3A_258 = arith.constant 0 : i32
      %dma_start3A_259 = arith.constant 0 : i32
      %dma_start3A_260 = tpu.memref_slice %arg12[%dma_start3A_257, %dma_start3A_258, %dma_start3A_259] : memref<8x8x129xf32, #tpu.memory_space<vmem>> -> memref<8x8x128xf32, #tpu.memory_space<vmem>>
      tpu.enqueue_dma source(%dma_start3A_260 : memref<8x8x128xf32, #tpu.memory_space<vmem>>) target(%dma_start3A_256 : memref<8x8x128xf32, #tpu.memory_space<hbm>>) target_semaphore(%arg14 : memref<!tpu.dma_semaphore, #tpu.memory_space<semaphore_mem>>)
    }
    %scan3A_118 = arith.constant 100 : i32
    %dma_wait3A = arith.constant 198 : i32
    %dma_wait3A_119 = arith.constant 0 : i32
    %dma_wait3A_120 = arith.constant 0 : i32
    %dma_wait3A_121 = arith.constant 0 : i32
    %dma_wait3A_122 = tpu.memref_slice %arg11[%dma_wait3A_119, %dma_wait3A_120, %dma_wait3A_121] : memref<8x8x129xf32, #tpu.memory_space<vmem>> -> memref<8x8x128xf32, #tpu.memory_space<vmem>>
    %dma_wait3A_123 = arith.constant 0 : i32
    %dma_wait3A_124 = arith.constant 0 : i32
    %dma_wait3A_125 = arith.constant 0 : i32
    %dma_wait3A_126 = tpu.memref_slice %arg5[%dma_wait3A, %dma_wait3A_123, %add3A, %dma_wait3A_124, %dma_wait3A_125] : memref<200x8x32x8x128xf32, #tpu.memory_space<hbm>> -> memref<1x8x1x8x128xf32, #tpu.memory_space<hbm>>
    %dma_wait3A_127 = tpu.memref_squeeze %dma_wait3A_126 : memref<1x8x1x8x128xf32, #tpu.memory_space<hbm>> -> memref<8x8x128xf32, #tpu.memory_space<hbm>>
    %dma_wait3A_128 = arith.constant 0 : i32
    %dma_wait3A_129 = arith.constant 0 : i32
    %dma_wait3A_130 = arith.constant 0 : i32
    %dma_wait3A_131 = tpu.memref_slice %arg5[%dma_wait3A, %dma_wait3A_128, %add3A, %dma_wait3A_129, %dma_wait3A_130] : memref<200x8x32x8x128xf32, #tpu.memory_space<hbm>> -> memref<1x8x1x8x128xf32, #tpu.memory_space<hbm>>
    %dma_wait3A_132 = tpu.memref_squeeze %dma_wait3A_131 : memref<1x8x1x8x128xf32, #tpu.memory_space<hbm>> -> memref<8x8x128xf32, #tpu.memory_space<hbm>>
    %dma_wait3A_133 = arith.constant 0 : i32
    %dma_wait3A_134 = arith.constant 0 : i32
    %dma_wait3A_135 = arith.constant 0 : i32
    %dma_wait3A_136 = tpu.memref_slice %arg11[%dma_wait3A_133, %dma_wait3A_134, %dma_wait3A_135] : memref<8x8x129xf32, #tpu.memory_space<vmem>> -> memref<8x8x128xf32, #tpu.memory_space<vmem>>
    tpu.wait_dma2 semaphore(%arg14 : memref<!tpu.dma_semaphore, #tpu.memory_space<semaphore_mem>>) src(%dma_wait3A_136 : memref<8x8x128xf32, #tpu.memory_space<vmem>>) dst(%dma_wait3A_132 : memref<8x8x128xf32, #tpu.memory_space<hbm>>)
    %dma_wait3A_137 = arith.constant 199 : i32
    %dma_wait3A_138 = arith.constant 0 : i32
    %dma_wait3A_139 = arith.constant 0 : i32
    %dma_wait3A_140 = arith.constant 0 : i32
    %dma_wait3A_141 = tpu.memref_slice %arg12[%dma_wait3A_138, %dma_wait3A_139, %dma_wait3A_140] : memref<8x8x129xf32, #tpu.memory_space<vmem>> -> memref<8x8x128xf32, #tpu.memory_space<vmem>>
    %dma_wait3A_142 = arith.constant 0 : i32
    %dma_wait3A_143 = arith.constant 0 : i32
    %dma_wait3A_144 = arith.constant 0 : i32
    %dma_wait3A_145 = tpu.memref_slice %arg5[%dma_wait3A_137, %dma_wait3A_142, %add3A, %dma_wait3A_143, %dma_wait3A_144] : memref<200x8x32x8x128xf32, #tpu.memory_space<hbm>> -> memref<1x8x1x8x128xf32, #tpu.memory_space<hbm>>
    %dma_wait3A_146 = tpu.memref_squeeze %dma_wait3A_145 : memref<1x8x1x8x128xf32, #tpu.memory_space<hbm>> -> memref<8x8x128xf32, #tpu.memory_space<hbm>>
    %dma_wait3A_147 = arith.constant 0 : i32
    %dma_wait3A_148 = arith.constant 0 : i32
    %dma_wait3A_149 = arith.constant 0 : i32
    %dma_wait3A_150 = tpu.memref_slice %arg5[%dma_wait3A_137, %dma_wait3A_147, %add3A, %dma_wait3A_148, %dma_wait3A_149] : memref<200x8x32x8x128xf32, #tpu.memory_space<hbm>> -> memref<1x8x1x8x128xf32, #tpu.memory_space<hbm>>
    %dma_wait3A_151 = tpu.memref_squeeze %dma_wait3A_150 : memref<1x8x1x8x128xf32, #tpu.memory_space<hbm>> -> memref<8x8x128xf32, #tpu.memory_space<hbm>>
    %dma_wait3A_152 = arith.constant 0 : i32
    %dma_wait3A_153 = arith.constant 0 : i32
    %dma_wait3A_154 = arith.constant 0 : i32
    %dma_wait3A_155 = tpu.memref_slice %arg12[%dma_wait3A_152, %dma_wait3A_153, %dma_wait3A_154] : memref<8x8x129xf32, #tpu.memory_space<vmem>> -> memref<8x8x128xf32, #tpu.memory_space<vmem>>
    tpu.wait_dma2 semaphore(%arg14 : memref<!tpu.dma_semaphore, #tpu.memory_space<semaphore_mem>>) src(%dma_wait3A_155 : memref<8x8x128xf32, #tpu.memory_space<vmem>>) dst(%dma_wait3A_151 : memref<8x8x128xf32, #tpu.memory_space<hbm>>)
    return
  }
}

</mosaic_0001>

<sc_bundles>
// kernel: _run.3.cloned.1.call-start
scs
__scs_entry_jumppad:
0x0: {  	(pc) =	sbr.rel $0x88, $3  }
0x1: {  	(tag) =	ssettag $0x0;
	lr =	simm.s32 $0x1  }
0x2: {  	[smem:$0x3F9E] =	sst lr;
	_ =	strace $0xD0000000  }
0x3: {  	_ = 	snop  }
0x4: {  	_ = 	snop  }
0x5: {  	_ = 	snop  }
0x6: {  	_ = 	snop  }
0x7: {  	_ = 	snop  }
__scs_overlays_trampoline_lowered:
0x8: {  	[smem:$0x3FAD] =	sst s0  }
0x9: {  	[smem:$0x3FAE] =	sst s1  }
0xa: {  	[smem:$0x3FAF] =	sst s2  }
0xb: {  	[smem:$0x3FB0] =	sst s3  }
0xc: {  	[smem:$0x3FB1] =	sst s4  }
0xd: {  	[smem:$0x3FB2] =	sst s5  }
0xe: {  	[smem:$0x3FB3] =	sst s6  }
0xf: {  	[smem:$0x3FB4] =	sst s7  }
0x10: {  	[smem:$0x3FB5] =	sst s8  }
0x11: {  	[smem:$0x3FB6] =	sst s9;
	s0 =	simm.s32 @!p0 $0x0  }
0x12: {  	s1 =	sld [smem:$0x3F9C];
	s0 =	simm.s32 @p0 $0x1  }
0x13: {  	[smem:$0x3FB7] =	sst s0;
	s0 =	simm.s32 @!p1 $0x0  }
0x14: {  	s2 =	sld [smem:$0x3F9B];
	s0 =	simm.s32 @p1 $0x1  }
0x15: {  	[smem:$0x3FB8] =	sst s0;
	s0 =	simm.s32 @!p2 $0x0  }
0x16: {  	s3 =	sld [smem:$0x3FDB];
	s0 =	simm.s32 @p2 $0x1  }
0x17: {  	s4 =	simm.s32 $0x1BF5;
	[smem:$0x3FBA] =	sst s0  }
0x18: {  	s0 =	sld [smem:$0x3F9D];
	_ =	swait.ge [sflag:s4], $0x0  }
0x19: {  	s7 =	sld [smem:$0x3F9E]  }
0x1a: {  	s8 =	sadd.s32 $0xFFFFE003, lr  }
0x1b: {  	s9 =	sadd.s32 $0xFFFFFEF7, lr;
	s5 =	simm.s32 $0xFFFFFFFF;
	p2 =	slt.u32 s8, $0xFFFFF086  }
0x1c: {  	p1 =	slt.u32 s9, $0xF7A;
	s5 =	simm.s32 @!p2 $0x0  }
0x1d: {  	s5 =	simm.s32 @p1 $0x1;
	p0 =	seq.s32 s7, s2  }
0x1e: {  	s7 =	smul.u32 @!p0 $0xF7A, s2;
	p2 =	seq.s32 @!p0 s5, $0x0  }
0x1f: {  	s9 =	smul.u32 $0xF7A, s1;
	s8 =	simm.s32 @!p0 $0x1BF5;
	p2 =	por !p2, p0  }
0x20: {  	[sflag:s8] =	ssyncset.s32 @!p0 $0xFFFFF086;
	s6 =	sadd.s32 @!p0 s3, s7;
	s7 =	simm.s32 @!p0 $0x108  }
0x21: {  	s3 =	sadd.s32 s3, s9;
	s6 =	sadd.s32 @!p0 $0x88, s6;
	s7 =	simm.s32 @p2 $0x1082  }
0x22: {  	[simem:s7], [sflag:s8] =	dma.local @!p0 [hbm:s6], $0xF7A  }
0x23: {  	s9 =	sor.u32 $0xD0000000, s2;
	s6 =	simm.s32 $0x108;
	_ =	swait.ge @!p0 [sflag:s8], $0x0  }
0x24: {  	s3 =	sadd.s32 $0x88, s3;
	s6 =	simm.s32 @!p1 $0x1082;
	[sflag:s4] =	ssyncset.s32 $0xFFFFF086  }
0x25: {  	[simem:s6], [sflag:s4] =	dma.local [hbm:s3], $0xF7A  }
0x26: {  	[smem:$0x3F9E] =	sst s1;
	(tag) =	ssettag s2;
	_ =	strace s9  }
0x27: {  	s1 =	sld [smem:$0x3FAE]  }
0x28: {  	s2 =	sld [smem:$0x3FAF]  }
0x29: {  	s4 =	sld [smem:$0x3FB1]  }
0x2a: {  	p0 =	seq.s32 s5, $0x0;
	s5 =	sld [smem:$0x3FB2]  }
0x2b: {  	s6 =	sld [smem:$0x3FB3]  }
0x2c: {  	s7 =	sld [smem:$0x3FB4]  }
0x2d: {  	s3 =	simm.s32 $0x108;
	s8 =	sld [smem:$0x3FB5]  }
0x2e: {  	s3 =	simm.s32 @!p0 $0x1082;
	s9 =	sld [smem:$0x3FB6]  }
0x2f: {  	lr =	sadd.s32 s0, s3;
	s0 =	sld [smem:$0x3FAD]  }
0x30: {  	s3 =	sld [smem:$0x3FB0]  }
0x31: {  	[smem:$0x3FB9] =	sst s10  }
0x32: {  	s10 =	sld [smem:$0x3FB7];
	_ =	sdelay $0x3  }
0x33: {  	p0 =	seq.s32 s10, $0x1;
	s10 =	sld [smem:$0x3FB9];
	_ =	sdelay $0x3  }
0x34: {  	[smem:$0x3FB9] =	sst s10  }
0x35: {  	s10 =	sld [smem:$0x3FB8];
	_ =	sdelay $0x3  }
0x36: {  	p1 =	seq.s32 s10, $0x1;
	s10 =	sld [smem:$0x3FB9];
	_ =	sdelay $0x3  }
0x37: {  	[smem:$0x3FB9] =	sst s10  }
0x38: {  	s10 =	sld [smem:$0x3FBA]  }
0x39: {  	_ = 	snop;
	(pc) =	sbr.ind lr, $3  }
0x3a: {  	_ = 	snop  }
0x3b: {  	_ = 	snop  }
0x3c: {  	p2 =	seq.s32 s10, $0x1;
	s10 =	sld [smem:$0x3FB9]  }
0x3d: {  	_ =	shalt  }
0x3e: {  	_ =	shalt  }
0x3f: {  	_ =	shalt  }
0x40: {  	_ =	shalt  }
0x41: {  	_ =	shalt  }
0x42: {  	_ =	shalt  }
0x43: {  	_ =	shalt  }
0x44: {  	_ =	shalt  }
0x45: {  	_ =	shalt  }
0x46: {  	_ =	shalt  }
0x47: {  	_ =	shalt  }
0x48: {  	_ =	shalt  }
0x49: {  	_ =	shalt  }
0x4a: {  	_ =	shalt  }
0x4b: {  	_ =	shalt  }
0x4c: {  	_ =	shalt  }
0x4d: {  	_ =	shalt  }
0x4e: {  	_ =	shalt  }
0x4f: {  	_ =	shalt  }
0x50: {  	_ =	shalt  }
0x51: {  	_ =	shalt  }
0x52: {  	_ =	shalt  }
0x53: {  	_ =	shalt  }
0x54: {  	_ =	shalt  }
0x55: {  	_ =	shalt  }
0x56: {  	_ =	shalt  }
0x57: {  	_ =	shalt  }
0x58: {  	_ =	shalt  }
0x59: {  	_ =	shalt  }
0x5a: {  	_ =	shalt  }
0x5b: {  	_ =	shalt  }
0x5c: {  	_ =	shalt  }
0x5d: {  	_ =	shalt  }
0x5e: {  	_ =	shalt  }
0x5f: {  	_ =	shalt  }
0x60: {  	_ =	shalt  }
0x61: {  	_ =	shalt  }
0x62: {  	_ =	shalt  }
0x63: {  	_ =	shalt  }
0x64: {  	_ =	shalt  }
0x65: {  	_ =	shalt  }
0x66: {  	_ =	shalt  }
0x67: {  	_ =	shalt  }
0x68: {  	_ =	shalt  }
0x69: {  	_ =	shalt  }
0x6a: {  	_ =	shalt  }
0x6b: {  	_ =	shalt  }
0x6c: {  	_ =	shalt  }
0x6d: {  	_ =	shalt  }
0x6e: {  	_ =	shalt  }
0x6f: {  	_ =	shalt  }
0x70: {  	_ =	shalt  }
0x71: {  	_ =	shalt  }
0x72: {  	_ =	shalt  }
0x73: {  	_ =	shalt  }
0x74: {  	_ =	shalt  }
0x75: {  	_ =	shalt  }
0x76: {  	_ =	shalt  }
0x77: {  	_ =	shalt  }
0x78: {  	_ =	shalt  }
0x79: {  	_ =	shalt  }
0x7a: {  	_ =	shalt  }
0x7b: {  	_ =	shalt  }
0x7c: {  	_ =	shalt  }
0x7d: {  	_ =	shalt  }
0x7e: {  	_ =	shalt  }
0x7f: {  	_ =	shalt  }
0x80: {  	_ =	shalt  }
0x81: {  	_ =	shalt  }
0x82: {  	_ =	shalt  }
0x83: {  	_ =	shalt  }
0x84: {  	_ =	shalt  }
0x85: {  	_ =	shalt  }
0x86: {  	_ =	shalt  }
0x87: {  	_ =	shalt  }
.Lfunc_end0:
.L_simem_size_0:
called_computation_lowered:
.L_overlay_start_0:
0x88: {  	s2 =	sld [smem:$0x3FD9]  }
0x89: {  	s3 =	sld [smem:$0x3FFE];
	_ =	sdelay $0x1  }
0x8a: {  	s1 =	srdreg.scid  }
0x8b: {  	s0 =	sand.u32 $0x1, s1  }
0x8c: {  	s17 =	sshll.u32 s0, $0xA;
	s2 =	sadd.s32 s3, s2  }
0x8d: {  	s2 =	sadd.s32 s2, s17  }
0x8e: {  	[smem:$0x3FC5] =	sst s2  }
0x8f: {  	_ = 	snop  }
0x90: {  	s2 =	sld [smem:$0x3FD0];
	(tm) =	ssettm $0x1  }
0x91: {  	s18 =	sld [smem:$0x3FFB];
	_ =	sdelay $0x3  }
0x92: {  	_ =	strace s18  }
0x93: {  	s3 =	sld [smem:$0x3FFC];
	_ =	sdelay $0x3  }
0x94: {  	_ =	strace s3  }
0x95: {  	s3 =	sld [smem:$0x3FFD];
	_ =	sdelay $0x3  }
0x96: {  	_ =	strace s3  }
0x97: {  	_ =	strace $0x8FFFFFFF  }
0x98: {  	s19 =	sld [smem:$0x3FDB];
	_ =	sdelay $0x1  }
0x99: {  	s4 =	simm.s32 $_scs_section_size  }
0x9a: {  	s5 =	simm.s32 $_size__tile_overlayer_lowered;
	s6 =	simm.s32 $_tile_overlayer_lowered  }
0x9b: {  	s22 =	simm.s32 $0x1BFF;
	s21 =	sshll.u32 s6, $0x1;
	s3 =	sadd.s32 s4, s19  }
0x9c: {  	s7 =	simm.s32 $0x0;
	s20 =	sshll.u32 s5, $0x1;
	s5 =	sadd.s32 s21, s3  }
0x9d: {  	[timem:s7], [sflag:s22] =	dma.local [hbm:s5], s20  }
0x9e: {  	_ =	swait.ge [sflag:s22], s20  }
0x9f: {  	s4 =	ssub.s32 $0x0, s20;
	[sflag:s22] =	ssyncset.done $0x0  }
0xa0: {  	[sflag:s22] =	ssyncadd.s32 s4;
	_ =	sdelay $0x1  }
0xa1: {  	s23 =	simm.s32 $0x1B8B  }
0xa2: {  	_ =	swait.ge [sflag:s23], $0x1  }
0xa3: {  	[sflag:s23] =	ssyncset.done $0x0  }
0xa4: {  	s25 =	simm.s32 $0x1B8E;
	s24 =	sld [smem:$0x3FFE];
	[sflag:s23] =	ssyncadd.s32 $0xFFFFFFFF  }
0xa5: {  	s26 =	simm.s32 $execute0_lowered;
	[smem:$0x3FD2] =	sst s25  }
0xa6: {  	s5 =	sshll.u32 s26, $0x1;
	_ =	strace $0x80000046;
	[dreg:$0x1] =	wrdreg $0xFFFFFFFF  }
0xa7: {  	s28 =	simm.s32 $_size_execute0_lowered;
	s3 =	sadd.s32 s3, s5;
	[dreg:$0x0] =	wrdreg $0x0  }
0xa8: {  	s5 =	sshll.u32 s28, $0x1;
	[dreg:$0x2] =	wrdreg s3  }
0xa9: {  	[dreg:$0x3] =	wrdreg s5  }
0xaa: {  	[dreg:$0x4] =	wrdreg $0xC0  }
0xab: {  	_ =	task [dreg:s7], $0x5FFFF  }
0xac: {  	[dreg:$0x1] =	wrdreg $0xFFFFFFFF  }
0xad: {  	[dreg:$0x0] =	wrdreg $0x60  }
0xae: {  	[dreg:$0x2] =	wrdreg s24  }
0xaf: {  	[dreg:$0x3] =	wrdreg s2  }
0xb0: {  	[dreg:$0x4] =	wrdreg $0x9  }
0xb1: {  	_ =	task.clear_ibuf [dreg:s7], $0x5FFFF;
	_ =	strace $0x90000046  }
0xb2: {  	s29 =	simm.s32 $0x9;
	_ =	strace $0x80000048  }
0xb3: {  	_ =	swait.ge [sflag:s29], $0x1  }
0xb4: {  	[sflag:s29] =	ssyncadd.s32 $0xFFFFFFFF  }
0xb5: {  	_ =	strace $0x90000048  }
0xb6: {  	_ =	sfence  }
0xb7: {  	s30 =	sld [smem:$0x0];
	_ =	sdelay $0x2  }
0xb8: {  	s31 =	sshll.u32 s1, $0xD;
	s1 =	sshrl.u32 s1, $0x2  }
0xb9: {  	s3 =	sand.u32 $0x4000, s31;
	s1 =	sadd.s32 s1, s30  }
0xba: {  	s0 =	sor.u32 s3, s0;
	s1 =	sshll.u32 s1, $0x11  }
0xbb: {  	s0 =	sor.u32 s1, s0  }
0xbc: {  	s0 =	sadd.s32 $0x8F2B, s0  }
0xbd: {  	[sflag:s0] =	ssyncadd.remote.s32 $0x1  }
0xbe: {  	_ =	sfence.sel $0xFFFF  }
0xbf: {  	[dreg:$0x0] =	wrdreg $0xFFFFFFFF;
	(pc) =	sbr.abs _section_cstart, $3  }
0xc0: {  	[dreg:$0x1] =	wrdreg $0xFFFFFFFF  }
0xc1: {  	_ =	task.clear_ibuf [dreg:s7], $0x2FFFF;
	_ =	strace $0x9FFFFFFF  }
0xc2: {  	(tm) =	ssettm $0x7FFFFFFF  }
0xc3: {  	_ =	shalt  }
tec
execute0_lowered:
.L_overlay_start_1:
0x0: {  	(tag) =	ssettag $0x1  }
0x1: {  	s1 =	srdreg.scid;
	s5 =	rddreg [dreg:$0x0]  }
0x2: {  	s0 =	stileid.u32;
	s2 =	rddreg [dreg:$0x1];
	s3 =	simm.s32 $0x0  }
0x3: {  	s10 =	simm.s32 $0xCC00;
	s11 =	simm.s32 $0x80;
	s12 =	simm.s32 $0x6800  }
0x4: {  	s13 =	simm.s32 $0xFE00;
	s14 =	simm.s32 $0x11E00;
	s15 =	simm.s32 $0x1  }
0x5: {  	v5 =	vlaneseq.u32;
	s16 =	simm.s32 $0x13E00;
	s17 =	simm.s32 $0x2;
	s18 =	simm.s32 $0x16000  }
0x6: {  	s4 =	sand.u32 $0x1, s1;
	s31 =	sshll.u32 s0, $0x1;
	s1 =	rddreg [dreg:$0x2];
	v0 =	vmul.u32 $0xD0, v5  }
0x7: {  	s19 =	simm.s32 $0x0;
	[smem:$0x7FF] =	sst s3;
	s7 =	sor.u32 s4, s31  }
0x8: {  	v5 =	vmul.u32 $0x88, v5;
	_ =	strace $0x80000047;
	s8 =	ssub.s32 $0x2, s4;
	s6 =	smul.u32 $0xC80, s7;
	v1 =	vadd.s32 $0xD00, v0  }
0x9: {  	s4 =	sadd.s32 $0xF42C00, s5;
	s9 =	sshrl.u32 s8, $0x1;
	s7 =	sshll.u32 s7, $0xA;
	v2 =	vadd.s32 $0x1A00, v0;
	v3 =	vadd.s32 $0x2700, v0;
	v4 =	vadd.s32 $0x3400, v0  }
0xa: {  	v6 =	vadd.s32 $0x4100, v0;
	v7 =	vadd.s32 $0x4E00, v0;
	v8 =	vadd.s32 $0x5B00, v0;
	s8 =	ssub.s32 s8, s9;
	s9 =	simm.s32 $0x3;
	s6 =	sadd.s32 s6, s5  }
0xb: {  	v9 =	vadd.s32 $0x880, v5;
	v10 =	vadd.s32 $0x1100, v5;
	v11 =	vadd.s32 $0x1980, v5;
	s5 =	sadd.s32 $0x19800, s5;
	s8 =	smax.u32 s8, $0x1;
	s6 =	sadd.s32 $0x800, s6  }
.LBB2_1:
0xc: {  	s20 =	simm.s32 $0x19  }
0xd: {  	s23 =	sadd.s32 $0x0, s6;
	s21 =	simm.s32 $0xD0;
	s22 =	simm.s32 $0x0  }
.LBB2_2:
0xe: {  	[tilespmem:s22], [sflag:$0x3] =	stream.linear.gather [hbm4b:s23+s3], $0xC8, $0x38;
	[tilespmem:$0x18200] =	vst v63  }
0xf: {  	s23 =	smov.u32 s20;
	s22 =	smov.u32 s21;
	p0 =	sne.s32 s20, $0xC67  }
.Ltmp0:
0x10: {  	s20 =	sadd.s32 $0x19, s20;
	(pc) =	sbr.rel @p0 .LBB2_2-.Ltmp0, $2  }
0x11: {  	_ =	sdelay $0x2  }
0x12: {  	s21 =	sadd.s32 $0xD0, s21;
	s23 =	sadd.s32 s23, s6  }
0x13: {  	[tilespmem:s22], [sflag:$0x3] =	stream.linear.gather [hbm4b:s23+s3], $0xC8, $0x38;
	[tilespmem:$0x18200] =	vst v63  }
0x14: {  	_ =	swait.ge [sflag:s9], $0x6400  }
0x15: {  	[sflag:s9] =	ssyncset.done $0x0  }
0x16: {  	s20 =	simm.s32 $0x0;
	[sflag:s9] =	ssyncadd.s32 $0xFFFF9C00  }
0x17: {  	[tilespmem:s10], [sflag:$0x3] =	stream.linear.gather [hbm4b:s5+s20], $0x3200, $0x38;
	[tilespmem:$0x18200] =	vst v63  }
0x18: {  	_ =	swait.ge [sflag:s9], $0x3200  }
0x19: {  	[sflag:s9] =	ssyncset.done $0x0  }
0x1a: {  	[sflag:s9] =	ssyncadd.s32 $0xFFFFCE00  }
0x1b: {  	v12 =	vld.idx.msk [tilespmem:v0+s20+$0x0], $0xffff;
	_ =	sdelay $0x4  }
0x1c: {  	[tilespmem:$0x6800] =	vst v12  }
0x1d: {  	v12 =	vld.idx.msk [tilespmem:v1+s20+$0x0], $0xffff;
	_ =	sdelay $0x4  }
0x1e: {  	[tilespmem:$0x6810] =	vst v12  }
0x1f: {  	v12 =	vld.idx.msk [tilespmem:v2+s20+$0x0], $0xffff;
	_ =	sdelay $0x4  }
0x20: {  	[tilespmem:$0x6820] =	vst v12  }
0x21: {  	v12 =	vld.idx.msk [tilespmem:v3+s20+$0x0], $0xffff;
	_ =	sdelay $0x4  }
0x22: {  	[tilespmem:$0x6830] =	vst v12  }
0x23: {  	v12 =	vld.idx.msk [tilespmem:v4+s20+$0x0], $0xffff;
	_ =	sdelay $0x4  }
0x24: {  	[tilespmem:$0x6840] =	vst v12  }
0x25: {  	v12 =	vld.idx.msk [tilespmem:v6+s20+$0x0], $0xffff;
	_ =	sdelay $0x4  }
0x26: {  	[tilespmem:$0x6850] =	vst v12  }
0x27: {  	v12 =	vld.idx.msk [tilespmem:v7+s20+$0x0], $0xffff;
	_ =	sdelay $0x4  }
0x28: {  	[tilespmem:$0x6860] =	vst v12  }
0x29: {  	v12 =	vld.idx.msk [tilespmem:v8+s20+$0x0], $0xffff;
	_ =	sdelay $0x4  }
0x2a: {  	s21 =	simm.s32 $0x0;
	[tilespmem:$0x6870] =	vst v12  }
0x2b: {  	[tilespmem:s13], [sflag:$0x1] =	stream.indirect.gather [hbm4b:s4+s11], $0x40, s12, s11, $0xb8;
	[tilespmem:$0x18200] =	vst v63  }
.LBB2_4:
0x2c: {  	s22 =	sshllo.u32 s21, $0x1  }
0x2d: {  	v12 =	vmov s22  }
0x2e: {  	v12 =	vand.u32 $0xFF, v12  }
0x2f: {  	v13 =	vadd.s32 v0, v12;
	_ =	sdelay $0x4  }
0x30: {  	v13 =	vld.idx.msk [tilespmem:v13+s3+$0x0], $0xffff  }
0x31: {  	v14 =	vadd.s32 v1, v12;
	_ =	sdelay $0x1  }
0x32: {  	s23 =	sshll.u32 s22, $0x7  }
0x33: {  	s23 =	sand.u32 $0x3FFFFF80, s23  }
0x34: {  	[tilespmem:s23+$0x6800] =	vst v13  }
0x35: {  	v13 =	vld.idx.msk [tilespmem:v14+s3+$0x0], $0xffff  }
0x36: {  	v14 =	vadd.s32 v2, v12;
	_ =	sdelay $0x3  }
0x37: {  	[tilespmem:s23+$0x6810] =	vst v13  }
0x38: {  	v13 =	vld.idx.msk [tilespmem:v14+s3+$0x0], $0xffff  }
0x39: {  	v14 =	vadd.s32 v3, v12;
	_ =	sdelay $0x3  }
0x3a: {  	[tilespmem:s23+$0x6820] =	vst v13  }
0x3b: {  	v13 =	vld.idx.msk [tilespmem:v14+s3+$0x0], $0xffff  }
0x3c: {  	v14 =	vadd.s32 v4, v12;
	_ =	sdelay $0x3  }
0x3d: {  	[tilespmem:s23+$0x6830] =	vst v13  }
0x3e: {  	v13 =	vld.idx.msk [tilespmem:v14+s3+$0x0], $0xffff  }
0x3f: {  	v14 =	vadd.s32 v6, v12;
	_ =	sdelay $0x3  }
0x40: {  	[tilespmem:s23+$0x6840] =	vst v13  }
0x41: {  	v13 =	vld.idx.msk [tilespmem:v14+s3+$0x0], $0xffff  }
0x42: {  	v14 =	vadd.s32 v7, v12;
	_ =	sdelay $0x3  }
0x43: {  	[tilespmem:s23+$0x6850] =	vst v13  }
0x44: {  	v13 =	vld.idx.msk [tilespmem:v14+s3+$0x0], $0xffff  }
0x45: {  	v12 =	vadd.s32 v8, v12;
	_ =	sdelay $0x3  }
0x46: {  	[tilespmem:s23+$0x6860] =	vst v13  }
0x47: {  	v12 =	vld.idx.msk [tilespmem:v12+s3+$0x0], $0xffff;
	_ =	sdelay $0x4  }
0x48: {  	s24 =	sadd.s32 $0x6800, s23;
	[tilespmem:s23+$0x6870] =	vst v12  }
0x49: {  	[tilespmem:s14], [sflag:$0x1] =	stream.indirect.gather [hbm4b:s4+s11], $0x40, s24, s11, $0xb8;
	[tilespmem:$0x18200] =	vst v63  }
0x4a: {  	_ =	swait.ge [sflag:s15], $0x2000  }
0x4b: {  	p0 =	seq.s32 s21, $0x0;
	[sflag:s15] =	ssyncset.done $0x0  }
0x4c: {  	s23 =	simm.s32 @!p0 $0x2;
	[sflag:s15] =	ssyncadd.s32 $0xFFFFE000  }
0x4d: {  	_ =	swait.ge @!p0 [sflag:s23], $0x2000  }
0x4e: {  	s31 =	sshll.u32 s21, $0x7;
	[sflag:s23] =	ssyncset.done @!p0 $0x0  }
0x4f: {  	s25 =	sand.u32 $0x3FFFFF80, s31;
	[sflag:s23] =	ssyncadd.s32 @!p0 $0xFFFFE000  }
0x50: {  	v15 =	vld [tilespmem:s25+$0xCC00]  }
0x51: {  	v14 =	vld [tilespmem:s25+$0xCC10]  }
0x52: {  	v13 =	vld [tilespmem:s25+$0xCC20]  }
0x53: {  	s26 =	simm.s32 $0xFE80;
	v12 =	vld [tilespmem:s25+$0xCC30]  }
0x54: {  	v16 =	vld [tilespmem:s26+$0x40]  }
0x55: {  	s29 =	simm.s32 $0x3;
	v17 =	vld [tilespmem:s26+$0x50]  }
0x56: {  	v18 =	vmov s20;
	v19 =	vmov s29;
	v20 =	vld [tilespmem:s26+$0x60]  }
0x57: {  	s30 =	simm.s32 $0x1;
	v18 =	vand.u32 $0x7C, v18;
	v19 =	vand.u32 $0x7F, v19;
	v21 =	vld [tilespmem:s26+$0x70]  }
0x58: {  	v23 =	vmov s30;
	v27 =	vadd.s32 v5, v18;
	v25 =	vadd.s32 v5, v19;
	v22 =	vld [tilespmem:s26+$0xFFFFFF80]  }
0x59: {  	v30 =	vadd.s32 v9, v18;
	v28 =	vadd.s32 v9, v19;
	v26 =	vld [tilespmem:s26+$0xFFFFFF90];
	v16 =	vmul.f32 $8.000000000e+00, v16  }
0x5a: {  	v33 =	vadd.s32 v10, v18;
	v31 =	vadd.s32 v10, v19;
	v29 =	vld [tilespmem:s26+$0xFFFFFFA0];
	v17 =	vmul.f32 $8.000000000e+00, v17  }
0x5b: {  	v19 =	vadd.s32 v11, v19;
	v32 =	vld [tilespmem:s26+$0xFFFFFFB0];
	v20 =	vmul.f32 $8.000000000e+00, v20;
	v16 =	vadd.f32 v16, v15  }
0x5c: {  	v18 =	vadd.s32 v11, v18;
	v34 =	vld [tilespmem:s26+$0xFFFFFFC0];
	v21 =	vmul.f32 $8.000000000e+00, v21;
	v17 =	vadd.f32 v17, v14  }
0x5d: {  	v23 =	vand.u32 $0x7D, v23;
	v35 =	vld [tilespmem:s26+$0xFFFFFFD0];
	v22 =	vmul.f32 $8.000000000e+00, v22;
	[tilespmem:v25+s16+$0x0] =	vst.idx.msk $0xffff, v16;
	v16 =	vadd.f32 v20, v13  }
0x5e: {  	v59 =	vadd.s32 v5, v23;
	s25 =	simm.s32 $0x2;
	v20 =	vmul.f32 $8.000000000e+00, v26;
	v25 =	vld [tilespmem:s26+$0xFFFFFFE0];
	[tilespmem:v28+s16+$0x0] =	vst.idx.msk $0xffff, v17;
	v17 =	vadd.f32 v21, v12  }
0x5f: {  	v24 =	vmov s25;
	v26 =	vld [tilespmem:s26+$0xFFFFFFF0];
	v21 =	vadd.f32 v22, v15;
	v22 =	vmul.f32 $8.000000000e+00, v29;
	[tilespmem:v31+s16+$0x0] =	vst.idx.msk $0xffff, v16  }
0x60: {  	v60 =	vld [tilespmem:s26+$0x0];
	v24 =	vand.u32 $0x7E, v24;
	v16 =	vadd.f32 v20, v14;
	v20 =	vmul.f32 $8.000000000e+00, v32;
	[tilespmem:v19+s16+$0x0] =	vst.idx.msk $0xffff, v17  }
0x61: {  	[tilespmem:v27+s16+$0x0] =	vst.idx.msk $0xffff, v21;
	v17 =	vadd.f32 v22, v13;
	v19 =	vmul.f32 $8.000000000e+00, v34;
	v21 =	vadd.s32 v9, v23;
	v22 =	vld [tilespmem:s26+$0x10]  }
0x62: {  	v61 =	vld [tilespmem:s26+$0x20];
	v27 =	vadd.s32 v10, v23;
	[tilespmem:v30+s16+$0x0] =	vst.idx.msk $0xffff, v16;
	v16 =	vadd.f32 v20, v12;
	v20 =	vmul.f32 $8.000000000e+00, v35  }
0x63: {  	v23 =	vadd.s32 v11, v23;
	[tilespmem:v33+s16+$0x0] =	vst.idx.msk $0xffff, v17;
	v17 =	vadd.f32 v19, v15;
	v19 =	vmul.f32 $8.000000000e+00, v25;
	v25 =	vld [tilespmem:s26+$0x30]  }
0x64: {  	[tilespmem:v18+s16+$0x0] =	vst.idx.msk $0xffff, v16;
	v16 =	vadd.f32 v20, v14;
	v18 =	vmul.f32 $8.000000000e+00, v26;
	v26 =	vadd.s32 v5, v24  }
0x65: {  	v62 =	vadd.s32 v9, v24;
	v20 =	vmul.f32 $8.000000000e+00, v60;
	[tilespmem:v59+s16+$0x0] =	vst.idx.msk $0xffff, v17;
	v17 =	vadd.f32 v19, v13  }
0x66: {  	s24 =	simm.s32 $0xFF80;
	[tilespmem:v21+s16+$0x0] =	vst.idx.msk $0xffff, v16;
	v18 =	vadd.f32 v18, v12;
	v21 =	vmul.f32 $8.000000000e+00, v22;
	v16 =	vadd.s32 v10, v24  }
0x67: {  	v19 =	vld [tilespmem:s24+$0x40];
	v22 =	vadd.f32 v20, v15;
	[tilespmem:v27+s16+$0x0] =	vst.idx.msk $0xffff, v17;
	v27 =	vmul.f32 $8.000000000e+00, v61;
	v17 =	vadd.s32 v11, v24  }
0x68: {  	s31 =	simm.s32 $0x4;
	s26 =	simm.s32 $0x7;
	v20 =	vld [tilespmem:s24+$0x50];
	[tilespmem:v23+s16+$0x0] =	vst.idx.msk $0xffff, v18;
	v63 =	vadd.f32 v21, v14;
	v25 =	vmul.f32 $8.000000000e+00, v25  }
0x69: {  	s28 =	simm.s32 $0x6;
	v18 =	vmov s31;
	v23 =	vmov s26;
	v21 =	vld [tilespmem:s24+$0x60];
	[tilespmem:v26+s16+$0x0] =	vst.idx.msk $0xffff, v22;
	v24 =	vadd.f32 v27, v13  }
0x6a: {  	s23 =	sshll.u32 s21, $0x1;
	s25 =	simm.s32 $0x8;
	s26 =	simm.s32 $0x5;
	v18 =	vand.u32 $0x7C, v18;
	v22 =	vld [tilespmem:s24+$0x70];
	v23 =	vand.u32 $0x7F, v23;
	[tilespmem:v62+s16+$0x0] =	vst.idx.msk $0xffff, v63;
	v25 =	vadd.f32 v25, v12  }
.LBB2_5:
0x6b: {  	p1 =	slt.u32 s25, $0x7C;
	v26 =	vld [tilespmem:s24+$0xFFFFFF80];
	v27 =	vmov s26;
	v28 =	vmov s28;
	v29 =	vadd.s32 v5, v23;
	[tilespmem:v16+s16+$0x0] =	vst.idx.msk $0xffff, v24  }
0x6c: {  	v24 =	vadd.s32 v5, v18;
	v30 =	vadd.s32 v9, v23;
	v16 =	vld [tilespmem:s24+$0xFFFFFF90];
	v19 =	vmul.f32 $8.000000000e+00, v19;
	[tilespmem:v17+s16+$0x0] =	vst.idx.msk $0xffff, v25  }
0x6d: {  	v31 =	vadd.s32 v10, v23;
	v25 =	vadd.s32 v9, v18;
	v17 =	vld [tilespmem:s24+$0xFFFFFFA0];
	v20 =	vmul.f32 $8.000000000e+00, v20  }
0x6e: {  	v23 =	vadd.s32 v11, v23;
	v32 =	vld [tilespmem:s24+$0xFFFFFFB0];
	v19 =	vadd.f32 v19, v15;
	v21 =	vmul.f32 $8.000000000e+00, v21  }
0x6f: {  	v33 =	vadd.s32 v10, v18;
	v34 =	vld [tilespmem:s24+$0xFFFFFFC0];
	v20 =	vadd.f32 v20, v14;
	v22 =	vmul.f32 $8.000000000e+00, v22  }
0x70: {  	v18 =	vadd.s32 v11, v18;
	v26 =	vmul.f32 $8.000000000e+00, v26;
	v35 =	vld [tilespmem:s24+$0xFFFFFFD0];
	[tilespmem:v29+s16+$0x0] =	vst.idx.msk $0xffff, v19;
	v19 =	vadd.f32 v21, v13  }
0x71: {  	v27 =	vand.u32 $0x7D, v27;
	v16 =	vmul.f32 $8.000000000e+00, v16;
	v21 =	vld [tilespmem:s24+$0xFFFFFFE0];
	[tilespmem:v30+s16+$0x0] =	vst.idx.msk $0xffff, v20;
	v20 =	vadd.f32 v22, v12  }
0x72: {  	v28 =	vand.u32 $0x7E, v28;
	v22 =	vadd.f32 v26, v15;
	v17 =	vmul.f32 $8.000000000e+00, v17;
	v26 =	vld [tilespmem:s24+$0xFFFFFFF0];
	[tilespmem:v31+s16+$0x0] =	vst.idx.msk $0xffff, v19  }
0x73: {  	v29 =	vadd.s32 v5, v27;
	v16 =	vadd.f32 v16, v14;
	v19 =	vmul.f32 $8.000000000e+00, v32;
	v30 =	vld [tilespmem:s24+$0x0];
	[tilespmem:v23+s16+$0x0] =	vst.idx.msk $0xffff, v20  }
0x74: {  	[tilespmem:v24+s16+$0x0] =	vst.idx.msk $0xffff, v22;
	v17 =	vadd.f32 v17, v13;
	v20 =	vmul.f32 $8.000000000e+00, v34;
	v22 =	vadd.s32 v9, v27;
	v23 =	vld [tilespmem:s24+$0x10]  }
0x75: {  	v24 =	vadd.s32 v10, v27;
	[tilespmem:v25+s16+$0x0] =	vst.idx.msk $0xffff, v16;
	v16 =	vadd.f32 v19, v12;
	v19 =	vmul.f32 $8.000000000e+00, v35;
	v25 =	vld [tilespmem:s24+$0x20]  }
0x76: {  	[tilespmem:v33+s16+$0x0] =	vst.idx.msk $0xffff, v17;
	v17 =	vadd.f32 v20, v15;
	v20 =	vmul.f32 $8.000000000e+00, v21;
	v21 =	vadd.s32 v11, v27;
	v27 =	vld [tilespmem:s24+$0x30]  }
0x77: {  	[tilespmem:v18+s16+$0x0] =	vst.idx.msk $0xffff, v16;
	v16 =	vadd.f32 v19, v14;
	v18 =	vmul.f32 $8.000000000e+00, v26;
	v26 =	vadd.s32 v5, v28  }
0x78: {  	[tilespmem:v29+s16+$0x0] =	vst.idx.msk $0xffff, v17;
	v17 =	vadd.f32 v20, v13;
	v20 =	vmul.f32 $8.000000000e+00, v30;
	v29 =	vadd.s32 v9, v28  }
.Ltmp1:
0x79: {  	s24 =	sadd.s32 $0x100, s24;
	[tilespmem:v22+s16+$0x0] =	vst.idx.msk $0xffff, v16;
	v18 =	vadd.f32 v18, v12;
	v22 =	vmul.f32 $8.000000000e+00, v23;
	v16 =	vadd.s32 v10, v28;
	(pc) =	sbr.rel @p1 .LBB2_5-.Ltmp1, $4  }
0x7a: {  	v19 =	vld [tilespmem:s24+$0x40];
	[tilespmem:v24+s16+$0x0] =	vst.idx.msk $0xffff, v17;
	v23 =	vadd.f32 v20, v15;
	v24 =	vmul.f32 $8.000000000e+00, v25;
	v17 =	vadd.s32 v11, v28  }
0x7b: {  	s26 =	sadd.s32 $0x3, s25;
	v20 =	vld [tilespmem:s24+$0x50];
	[tilespmem:v21+s16+$0x0] =	vst.idx.msk $0xffff, v18;
	v25 =	vadd.f32 v22, v14;
	v27 =	vmul.f32 $8.000000000e+00, v27  }
0x7c: {  	v28 =	vmov s26;
	v18 =	vmov s25;
	v21 =	vld [tilespmem:s24+$0x60];
	[tilespmem:v26+s16+$0x0] =	vst.idx.msk $0xffff, v23;
	v24 =	vadd.f32 v24, v13  }
0x7d: {  	s28 =	sadd.s32 $0x2, s25;
	s26 =	sadd.s32 $0x1, s25;
	s25 =	sadd.s32 $0x4, s25;
	v18 =	vand.u32 $0x7C, v18;
	v23 =	vand.u32 $0x7F, v28;
	v22 =	vld [tilespmem:s24+$0x70];
	[tilespmem:v29+s16+$0x0] =	vst.idx.msk $0xffff, v25;
	v25 =	vadd.f32 v27, v12  }
0x7e: {  	_ = 	snop  }
0x7f: {  	v26 =	vld [tilespmem:s24+$0xFFFFFF80];
	v27 =	vmov s26;
	v28 =	vmov s28;
	v29 =	vadd.s32 v5, v23  }
0x80: {  	v31 =	vadd.s32 v5, v18;
	v32 =	vadd.s32 v9, v23;
	v51 =	vld [tilespmem:s24+$0xFFFFFFC0];
	v19 =	vmul.f32 $8.000000000e+00, v19  }
0x81: {  	v30 =	vld [tilespmem:s24+$0xFFFFFF90];
	v34 =	vadd.s32 v9, v18;
	v35 =	vadd.s32 v10, v23;
	v20 =	vmul.f32 $8.000000000e+00, v20  }
0x82: {  	v33 =	vld [tilespmem:s24+$0xFFFFFFA0];
	[tilespmem:v16+s16+$0x0] =	vst.idx.msk $0xffff, v24;
	v49 =	vadd.s32 v11, v23;
	v19 =	vadd.f32 v19, v15;
	v21 =	vmul.f32 $8.000000000e+00, v21  }
0x83: {  	v48 =	vld [tilespmem:s24+$0xFFFFFFB0];
	[tilespmem:v17+s16+$0x0] =	vst.idx.msk $0xffff, v25;
	v27 =	vand.u32 $0x7D, v27;
	v20 =	vadd.f32 v20, v14;
	v22 =	vmul.f32 $8.000000000e+00, v22  }
0x84: {  	v54 =	vld [tilespmem:s24+$0xFFFFFFD0];
	v63 =	vadd.s32 v5, v27;
	v52 =	vmul.f32 $8.000000000e+00, v26;
	[tilespmem:v29+s16+$0x0] =	vst.idx.msk $0xffff, v19;
	v55 =	vadd.f32 v21, v13  }
0x85: {  	v50 =	vadd.s32 v10, v18;
	v57 =	vld [tilespmem:s24+$0xFFFFFFE0];
	v38 =	vmul.f32 $8.000000000e+00, v51;
	[tilespmem:v32+s16+$0x0] =	vst.idx.msk $0xffff, v20;
	v58 =	vadd.f32 v22, v12  }
0x86: {  	v53 =	vadd.s32 v11, v18;
	v61 =	vld [tilespmem:s24+$0xFFFFFFF0];
	v56 =	vmul.f32 $8.000000000e+00, v30;
	v59 =	vadd.f32 v52, v15;
	[tilespmem:v35+s16+$0x0] =	vst.idx.msk $0xffff, v55  }
0x87: {  	v36 =	vld [tilespmem:s24+$0x0];
	v28 =	vand.u32 $0x7E, v28;
	v60 =	vmul.f32 $8.000000000e+00, v33;
	v44 =	vadd.f32 v38, v15;
	[tilespmem:v49+s16+$0x0] =	vst.idx.msk $0xffff, v58  }
0x88: {  	v40 =	vld [tilespmem:s24+$0x10];
	v39 =	vadd.s32 v9, v27;
	v16 =	vmul.f32 $8.000000000e+00, v48;
	v62 =	vadd.f32 v56, v14;
	[tilespmem:v31+s16+$0x0] =	vst.idx.msk $0xffff, v59  }
0x89: {  	v43 =	vld [tilespmem:s24+$0x20];
	v42 =	vadd.s32 v10, v27;
	v41 =	vmul.f32 $8.000000000e+00, v54;
	v37 =	vadd.f32 v60, v13;
	[tilespmem:v63+s16+$0x0] =	vst.idx.msk $0xffff, v44  }
0x8a: {  	v47 =	vld [tilespmem:s24+$0x30];
	v46 =	vadd.s32 v11, v27;
	v45 =	vmul.f32 $8.000000000e+00, v57;
	v16 =	vadd.f32 v16, v12;
	[tilespmem:v34+s16+$0x0] =	vst.idx.msk $0xffff, v62  }
0x8b: {  	v48 =	vadd.f32 v41, v14;
	v49 =	vmul.f32 $8.000000000e+00, v61;
	[tilespmem:v50+s16+$0x0] =	vst.idx.msk $0xffff, v37;
	v50 =	vadd.s32 v5, v28  }
0x8c: {  	v51 =	vadd.f32 v45, v13;
	v52 =	vmul.f32 $8.000000000e+00, v36;
	[tilespmem:v53+s16+$0x0] =	vst.idx.msk $0xffff, v16;
	v53 =	vadd.s32 v9, v28  }
0x8d: {  	v55 =	vmul.f32 $8.000000000e+00, v40;
	v56 =	vadd.s32 v10, v28;
	[tilespmem:v39+s16+$0x0] =	vst.idx.msk $0xffff, v48;
	v54 =	vadd.f32 v49, v12  }
0x8e: {  	v58 =	vmul.f32 $8.000000000e+00, v43;
	v57 =	vadd.f32 v52, v15;
	v59 =	vadd.s32 v11, v28;
	[tilespmem:v42+s16+$0x0] =	vst.idx.msk $0xffff, v51  }
0x8f: {  	v61 =	vmul.f32 $8.000000000e+00, v47;
	v60 =	vadd.f32 v55, v14;
	[tilespmem:v46+s16+$0x0] =	vst.idx.msk $0xffff, v54  }
0x90: {  	s25 =	sshll.u32 s21, $0x13;
	v62 =	vadd.f32 v58, v13;
	[tilespmem:v50+s16+$0x0] =	vst.idx.msk $0xffff, v57  }
0x91: {  	s24 =	sor.u32 s7, s25;
	v63 =	vadd.f32 v61, v12;
	[tilespmem:v53+s16+$0x0] =	vst.idx.msk $0xffff, v60  }
0x92: {  	s24 =	sshrl.u32 s24, $0x3;
	[tilespmem:v56+s16+$0x0] =	vst.idx.msk $0xffff, v62  }
0x93: {  	s26 =	simm.s32 $0x13E00;
	s25 =	sadd.s32 s2, s24;
	[tilespmem:v59+s16+$0x0] =	vst.idx.msk $0xffff, v63  }
0x94: {  	[hbm4b:s25+s3] =	stream.linear.scatter [tilespmem:s26], [sflag:$0x2], $0x80, $0x38;
	[tilespmem:$0x18200] =	vst v63  }
0x95: {  	s30 =	simm.s32 $0x13E88;
	s31 =	sadd.s32 $0x10, s25  }
0x96: {  	[hbm4b:s31+s3] =	stream.linear.scatter [tilespmem:s30], [sflag:$0x2], $0x80, $0x38;
	[tilespmem:$0x18200] =	vst v63  }
0x97: {  	s28 =	simm.s32 $0x141B8;
	s30 =	simm.s32 $0x13F10;
	s31 =	sadd.s32 $0x20, s25  }
0x98: {  	[hbm4b:s31+s3] =	stream.linear.scatter [tilespmem:s30], [sflag:$0x2], $0x80, $0x38;
	[tilespmem:$0x18200] =	vst v63  }
0x99: {  	s24 =	simm.s32 $0x440;
	s30 =	simm.s32 $0x13F98;
	s31 =	sadd.s32 $0x30, s25  }
0x9a: {  	[hbm4b:s31+s3] =	stream.linear.scatter [tilespmem:s30], [sflag:$0x2], $0x80, $0x38;
	[tilespmem:$0x18200] =	vst v63  }
0x9b: {  	s29 =	sadd.s32 $0x70, s25;
	s30 =	simm.s32 $0x14020;
	s31 =	sadd.s32 $0x40, s25  }
0x9c: {  	[hbm4b:s31+s3] =	stream.linear.scatter [tilespmem:s30], [sflag:$0x2], $0x80, $0x38;
	[tilespmem:$0x18200] =	vst v63  }
0x9d: {  	s26 =	simm.s32 $0x2200;
	s30 =	simm.s32 $0x140A8;
	s31 =	sadd.s32 $0x50, s25  }
0x9e: {  	[hbm4b:s31+s3] =	stream.linear.scatter [tilespmem:s30], [sflag:$0x2], $0x80, $0x38;
	[tilespmem:$0x18200] =	vst v63  }
0x9f: {  	s30 =	simm.s32 $0x14130;
	s31 =	sadd.s32 $0x60, s25;
	s25 =	sadd.s32 $0x1000, s25  }
0xa0: {  	[hbm4b:s31+s3] =	stream.linear.scatter [tilespmem:s30], [sflag:$0x2], $0x80, $0x38;
	[tilespmem:$0x18200] =	vst v63  }
.LBB2_7:
0xa1: {  	[hbm4b:s29+s3] =	stream.linear.scatter [tilespmem:s28], [sflag:$0x2], $0x80, $0x38;
	[tilespmem:$0x18200] =	vst v63  }
0xa2: {  	s28 =	smov.u32 s24;
	s24 =	smov.u32 s26  }
0xa3: {  	s30 =	sadd.s32 $0x1100, s26;
	s24 =	sshra.s32 s24, $0x2;
	s29 =	sadd.s32 $0x13E00, s28  }
0xa4: {  	[hbm4b:s25+s3] =	stream.linear.scatter [tilespmem:s29], [sflag:$0x2], $0x80, $0x38;
	[tilespmem:$0x18200] =	vst v63  }
0xa5: {  	p1 =	sne.s32 s26, $0x7700;
	s26 =	sadd.s32 $0x13E88, s28;
	s29 =	sadd.s32 $0x10, s25  }
0xa6: {  	[hbm4b:s29+s3] =	stream.linear.scatter [tilespmem:s26], [sflag:$0x2], $0x80, $0x38;
	[tilespmem:$0x18200] =	vst v63  }
0xa7: {  	s26 =	sadd.s32 $0x13F10, s28;
	s29 =	sadd.s32 $0x20, s25  }
0xa8: {  	[hbm4b:s29+s3] =	stream.linear.scatter [tilespmem:s26], [sflag:$0x2], $0x80, $0x38;
	[tilespmem:$0x18200] =	vst v63  }
0xa9: {  	s26 =	sadd.s32 $0x13F98, s28;
	s29 =	sadd.s32 $0x30, s25  }
0xaa: {  	[hbm4b:s29+s3] =	stream.linear.scatter [tilespmem:s26], [sflag:$0x2], $0x80, $0x38;
	[tilespmem:$0x18200] =	vst v63  }
0xab: {  	s26 =	sadd.s32 $0x14020, s28;
	s29 =	sadd.s32 $0x40, s25  }
0xac: {  	[hbm4b:s29+s3] =	stream.linear.scatter [tilespmem:s26], [sflag:$0x2], $0x80, $0x38;
	[tilespmem:$0x18200] =	vst v63  }
.Ltmp2:
0xad: {  	s26 =	sadd.s32 $0x140A8, s28;
	s29 =	sadd.s32 $0x50, s25;
	(pc) =	sbr.rel @p1 .LBB2_7-.Ltmp2, $4  }
0xae: {  	[hbm4b:s29+s3] =	stream.linear.scatter [tilespmem:s26], [sflag:$0x2], $0x80, $0x38;
	[tilespmem:$0x18200] =	vst v63  }
0xaf: {  	s26 =	sadd.s32 $0x14130, s28;
	s29 =	sadd.s32 $0x60, s25;
	s28 =	sadd.s32 $0x141B8, s28  }
0xb0: {  	[hbm4b:s29+s3] =	stream.linear.scatter [tilespmem:s26], [sflag:$0x2], $0x80, $0x38;
	[tilespmem:$0x18200] =	vst v63  }
0xb1: {  	s29 =	sadd.s32 $0x70, s25;
	s25 =	sadd.s32 $0x1000, s25;
	s26 =	smov.u32 s30  }
0xb2: {  	[hbm4b:s29+s3] =	stream.linear.scatter [tilespmem:s28], [sflag:$0x2], $0x80, $0x38;
	[tilespmem:$0x18200] =	vst v63  }
0xb3: {  	s26 =	sadd.s32 $0x13E00, s24  }
0xb4: {  	[hbm4b:s25+s3] =	stream.linear.scatter [tilespmem:s26], [sflag:$0x2], $0x80, $0x38;
	[tilespmem:$0x18200] =	vst v63  }
0xb5: {  	s30 =	sadd.s32 $0x13E88, s24;
	s31 =	sadd.s32 $0x10, s25  }
0xb6: {  	[hbm4b:s31+s3] =	stream.linear.scatter [tilespmem:s30], [sflag:$0x2], $0x80, $0x38;
	[tilespmem:$0x18200] =	vst v63  }
0xb7: {  	s29 =	sadd.s32 $0x13F10, s24;
	s30 =	sadd.s32 $0x20, s25  }
0xb8: {  	[hbm4b:s30+s3] =	stream.linear.scatter [tilespmem:s29], [sflag:$0x2], $0x80, $0x38;
	[tilespmem:$0x18200] =	vst v63  }
0xb9: {  	s31 =	sadd.s32 $0x13F98, s24;
	s29 =	sadd.s32 $0x30, s25  }
0xba: {  	[hbm4b:s29+s3] =	stream.linear.scatter [tilespmem:s31], [sflag:$0x2], $0x80, $0x38;
	[tilespmem:$0x18200] =	vst v63  }
0xbb: {  	s30 =	sadd.s32 $0x14020, s24;
	s31 =	sadd.s32 $0x40, s25  }
0xbc: {  	[hbm4b:s31+s3] =	stream.linear.scatter [tilespmem:s30], [sflag:$0x2], $0x80, $0x38;
	[tilespmem:$0x18200] =	vst v63  }
0xbd: {  	p1 =	sne.s32 s21, $0x63;
	s29 =	sadd.s32 $0x140A8, s24;
	s30 =	sadd.s32 $0x50, s25  }
0xbe: {  	[hbm4b:s30+s3] =	stream.linear.scatter [tilespmem:s29], [sflag:$0x2], $0x80, $0x38;
	[tilespmem:$0x18200] =	vst v63  }
.Ltmp3:
0xbf: {  	_ = 	snop;
	(pc) =	sbr.rel @p1 .LBB2_10-.Ltmp3, $4  }
0xc0: {  	s31 =	sadd.s32 $0x14130, s24;
	s29 =	sadd.s32 $0x60, s25  }
0xc1: {  	[hbm4b:s29+s3] =	stream.linear.scatter [tilespmem:s31], [sflag:$0x2], $0x80, $0x38;
	[tilespmem:$0x18200] =	vst v63  }
0xc2: {  	s30 =	sadd.s32 $0x141B8, s24;
	s31 =	sadd.s32 $0x70, s25  }
0xc3: {  	[hbm4b:s31+s3] =	stream.linear.scatter [tilespmem:s30], [sflag:$0x2], $0x80, $0x38;
	[tilespmem:$0x18200] =	vst v63  }
.Ltmp4:
0xc4: {  	(pc) =	sbr.rel .LBB2_11-.Ltmp4, $4  }
0xc5: {  	_ = 	snop  }
0xc6: {  	_ =	swait.ge [sflag:s15], $0x2000  }
0xc7: {  	[sflag:s15] =	ssyncset.done $0x0  }
0xc8: {  	[sflag:s15] =	ssyncadd.s32 $0xFFFFE000  }
.LBB2_10:
0xc9: {  	s23 =	sadd.s32 $0x2, s23  }
0xca: {  	v12 =	vmov s23  }
0xcb: {  	v12 =	vand.u32 $0x1FE, v12  }
0xcc: {  	v13 =	vadd.s32 v0, v12;
	_ =	sdelay $0x4  }
0xcd: {  	v13 =	vld.idx.msk [tilespmem:v13+s3+$0x0], $0xffff  }
0xce: {  	v14 =	vadd.s32 v1, v12;
	_ =	sdelay $0x1  }
0xcf: {  	s23 =	sshll.u32 s23, $0x7  }
0xd0: {  	s23 =	sand.u32 $0x3FFFFF80, s23  }
0xd1: {  	[tilespmem:s23+$0x6800] =	vst v13  }
0xd2: {  	v13 =	vld.idx.msk [tilespmem:v14+s3+$0x0], $0xffff  }
0xd3: {  	v59 =	vadd.s32 v2, v12;
	_ =	sdelay $0x3  }
0xd4: {  	[tilespmem:s23+$0x6810] =	vst v13  }
0xd5: {  	v13 =	vld.idx.msk [tilespmem:v59+s3+$0x0], $0xffff  }
0xd6: {  	v60 =	vadd.s32 v3, v12;
	_ =	sdelay $0x3  }
0xd7: {  	[tilespmem:s23+$0x6820] =	vst v13  }
0xd8: {  	v13 =	vld.idx.msk [tilespmem:v60+s3+$0x0], $0xffff  }
0xd9: {  	v61 =	vadd.s32 v4, v12;
	_ =	sdelay $0x3  }
0xda: {  	[tilespmem:s23+$0x6830] =	vst v13  }
0xdb: {  	v13 =	vld.idx.msk [tilespmem:v61+s3+$0x0], $0xffff  }
0xdc: {  	v62 =	vadd.s32 v6, v12;
	_ =	sdelay $0x3  }
0xdd: {  	[tilespmem:s23+$0x6840] =	vst v13  }
0xde: {  	v13 =	vld.idx.msk [tilespmem:v62+s3+$0x0], $0xffff  }
0xdf: {  	v63 =	vadd.s32 v7, v12;
	_ =	sdelay $0x3  }
0xe0: {  	[tilespmem:s23+$0x6850] =	vst v13  }
0xe1: {  	v13 =	vld.idx.msk [tilespmem:v63+s3+$0x0], $0xffff  }
0xe2: {  	v12 =	vadd.s32 v8, v12;
	_ =	sdelay $0x3  }
0xe3: {  	[tilespmem:s23+$0x6860] =	vst v13  }
0xe4: {  	v12 =	vld.idx.msk [tilespmem:v12+s3+$0x0], $0xffff;
	_ =	sdelay $0x4  }
.Ltmp5:
0xe5: {  	s24 =	sadd.s32 $0x6800, s23;
	[tilespmem:s23+$0x6870] =	vst v12;
	(pc) =	sbr.rel @p0 .LBB2_12-.Ltmp5, $4  }
0xe6: {  	[tilespmem:s13], [sflag:$0x1] =	stream.indirect.gather [hbm4b:s4+s11], $0x40, s24, s11, $0xb8;
	[tilespmem:$0x18200] =	vst v63  }
0xe7: {  	_ =	swait.ge [sflag:s15], $0x2000  }
0xe8: {  	[sflag:s15] =	ssyncset.done $0x0  }
0xe9: {  	[sflag:s15] =	ssyncadd.s32 $0xFFFFE000  }
.LBB2_11:
0xea: {  	_ =	swait.ge [sflag:s17], $0x2000  }
0xeb: {  	[sflag:s17] =	ssyncset.done $0x0  }
0xec: {  	[sflag:s17] =	ssyncadd.s32 $0xFFFFE000  }
.LBB2_12:
0xed: {  	s26 =	simm.s32 $0x11E80  }
0xee: {  	v16 =	vld [tilespmem:s26+$0x40]  }
0xef: {  	v17 =	vld [tilespmem:s26+$0x50]  }
0xf0: {  	v20 =	vld [tilespmem:s26+$0x60]  }
0xf1: {  	v21 =	vld [tilespmem:s26+$0x70]  }
0xf2: {  	s23 =	sshll.u32 s22, $0x6;
	v22 =	vld [tilespmem:s26+$0xFFFFFF80]  }
0xf3: {  	s25 =	simm.s32 $0x3;
	s23 =	sand.u32 $0x3FFFFFC0, s23;
	v26 =	vld [tilespmem:s26+$0xFFFFFF90]  }
0xf4: {  	s24 =	simm.s32 $0x0;
	s28 =	simm.s32 $0x1;
	v19 =	vmov s25;
	v15 =	vld [tilespmem:s23+$0xCC00]  }
0xf5: {  	s29 =	simm.s32 $0x2;
	v18 =	vmov s24;
	v23 =	vmov s28;
	v14 =	vld [tilespmem:s23+$0xCC10];
	v19 =	vand.u32 $0x7F, v19  }
0xf6: {  	v24 =	vmov s29;
	v13 =	vld [tilespmem:s23+$0xCC20];
	v18 =	vand.u32 $0x7C, v18;
	v25 =	vadd.s32 v5, v19  }
0xf7: {  	v12 =	vld [tilespmem:s23+$0xCC30];
	v23 =	vand.u32 $0x7D, v23;
	v28 =	vadd.s32 v9, v19;
	v16 =	vmul.f32 $8.000000000e+00, v16  }
0xf8: {  	v29 =	vld [tilespmem:s26+$0xFFFFFFA0];
	v24 =	vand.u32 $0x7E, v24;
	v31 =	vadd.s32 v10, v19;
	v17 =	vmul.f32 $8.000000000e+00, v17  }
0xf9: {  	v32 =	vld [tilespmem:s26+$0xFFFFFFB0];
	v19 =	vadd.s32 v11, v19;
	v20 =	vmul.f32 $8.000000000e+00, v20;
	v16 =	vadd.f32 v16, v15  }
0xfa: {  	v34 =	vld [tilespmem:s26+$0xFFFFFFC0];
	v27 =	vadd.s32 v5, v18;
	v21 =	vmul.f32 $8.000000000e+00, v21;
	v17 =	vadd.f32 v17, v14  }
0xfb: {  	v35 =	vld [tilespmem:s26+$0xFFFFFFD0];
	v30 =	vadd.s32 v9, v18;
	v22 =	vmul.f32 $8.000000000e+00, v22;
	[tilespmem:v25+s18+$0x0] =	vst.idx.msk $0xffff, v16;
	v16 =	vadd.f32 v20, v13  }
0xfc: {  	v33 =	vadd.s32 v10, v18;
	v20 =	vmul.f32 $8.000000000e+00, v26;
	v25 =	vld [tilespmem:s26+$0xFFFFFFE0];
	[tilespmem:v28+s18+$0x0] =	vst.idx.msk $0xffff, v17;
	v17 =	vadd.f32 v21, v12  }
0xfd: {  	v18 =	vadd.s32 v11, v18;
	v26 =	vld [tilespmem:s26+$0xFFFFFFF0];
	v21 =	vadd.f32 v22, v15;
	v22 =	vmul.f32 $8.000000000e+00, v29;
	[tilespmem:v31+s18+$0x0] =	vst.idx.msk $0xffff, v16  }
0xfe: {  	v60 =	vld [tilespmem:s26+$0x0];
	v59 =	vadd.s32 v5, v23;
	v16 =	vadd.f32 v20, v14;
	v20 =	vmul.f32 $8.000000000e+00, v32;
	[tilespmem:v19+s18+$0x0] =	vst.idx.msk $0xffff, v17  }
0xff: {  	[tilespmem:v27+s18+$0x0] =	vst.idx.msk $0xffff, v21;
	v17 =	vadd.f32 v22, v13;
	v19 =	vmul.f32 $8.000000000e+00, v34;
	v21 =	vadd.s32 v9, v23;
	v22 =	vld [tilespmem:s26+$0x10]  }
0x100: {  	v61 =	vld [tilespmem:s26+$0x20];
	v27 =	vadd.s32 v10, v23;
	[tilespmem:v30+s18+$0x0] =	vst.idx.msk $0xffff, v16;
	v16 =	vadd.f32 v20, v12;
	v20 =	vmul.f32 $8.000000000e+00, v35  }
0x101: {  	v23 =	vadd.s32 v11, v23;
	[tilespmem:v33+s18+$0x0] =	vst.idx.msk $0xffff, v17;
	v17 =	vadd.f32 v19, v15;
	v19 =	vmul.f32 $8.000000000e+00, v25;
	v25 =	vld [tilespmem:s26+$0x30]  }
0x102: {  	[tilespmem:v18+s18+$0x0] =	vst.idx.msk $0xffff, v16;
	v16 =	vadd.f32 v20, v14;
	v18 =	vmul.f32 $8.000000000e+00, v26;
	v26 =	vadd.s32 v5, v24  }
0x103: {  	v62 =	vadd.s32 v9, v24;
	v20 =	vmul.f32 $8.000000000e+00, v60;
	[tilespmem:v59+s18+$0x0] =	vst.idx.msk $0xffff, v17;
	v17 =	vadd.f32 v19, v13  }
0x104: {  	s23 =	simm.s32 $0x11F80;
	[tilespmem:v21+s18+$0x0] =	vst.idx.msk $0xffff, v16;
	v18 =	vadd.f32 v18, v12;
	v21 =	vmul.f32 $8.000000000e+00, v22;
	v16 =	vadd.s32 v10, v24  }
0x105: {  	v19 =	vld [tilespmem:s23+$0x40];
	v22 =	vadd.f32 v20, v15;
	[tilespmem:v27+s18+$0x0] =	vst.idx.msk $0xffff, v17;
	v27 =	vmul.f32 $8.000000000e+00, v61;
	v17 =	vadd.s32 v11, v24  }
0x106: {  	s30 =	simm.s32 $0x4;
	s31 =	simm.s32 $0x7;
	v20 =	vld [tilespmem:s23+$0x50];
	[tilespmem:v23+s18+$0x0] =	vst.idx.msk $0xffff, v18;
	v63 =	vadd.f32 v21, v14;
	v25 =	vmul.f32 $8.000000000e+00, v25  }
0x107: {  	v18 =	vmov s30;
	v23 =	vmov s31;
	v21 =	vld [tilespmem:s23+$0x60];
	[tilespmem:v26+s18+$0x0] =	vst.idx.msk $0xffff, v22;
	v24 =	vadd.f32 v27, v13  }
0x108: {  	s25 =	simm.s32 $0x5;
	s24 =	simm.s32 $0x8;
	s26 =	simm.s32 $0x6;
	v18 =	vand.u32 $0x7C, v18;
	v22 =	vld [tilespmem:s23+$0x70];
	v23 =	vand.u32 $0x7F, v23;
	[tilespmem:v62+s18+$0x0] =	vst.idx.msk $0xffff, v63;
	v25 =	vadd.f32 v25, v12  }
.LBB2_13:
0x109: {  	p0 =	slt.u32 s24, $0x7C;
	v26 =	vld [tilespmem:s23+$0xFFFFFF80];
	v27 =	vmov s25;
	v28 =	vmov s26;
	v29 =	vadd.s32 v5, v23;
	[tilespmem:v16+s18+$0x0] =	vst.idx.msk $0xffff, v24  }
0x10a: {  	v24 =	vadd.s32 v5, v18;
	v30 =	vadd.s32 v9, v23;
	v16 =	vld [tilespmem:s23+$0xFFFFFF90];
	v19 =	vmul.f32 $8.000000000e+00, v19;
	[tilespmem:v17+s18+$0x0] =	vst.idx.msk $0xffff, v25  }
0x10b: {  	v31 =	vadd.s32 v10, v23;
	v25 =	vadd.s32 v9, v18;
	v17 =	vld [tilespmem:s23+$0xFFFFFFA0];
	v20 =	vmul.f32 $8.000000000e+00, v20  }
0x10c: {  	v23 =	vadd.s32 v11, v23;
	v32 =	vld [tilespmem:s23+$0xFFFFFFB0];
	v19 =	vadd.f32 v19, v15;
	v21 =	vmul.f32 $8.000000000e+00, v21  }
0x10d: {  	v33 =	vadd.s32 v10, v18;
	v34 =	vld [tilespmem:s23+$0xFFFFFFC0];
	v20 =	vadd.f32 v20, v14;
	v22 =	vmul.f32 $8.000000000e+00, v22  }
0x10e: {  	v18 =	vadd.s32 v11, v18;
	v26 =	vmul.f32 $8.000000000e+00, v26;
	v35 =	vld [tilespmem:s23+$0xFFFFFFD0];
	[tilespmem:v29+s18+$0x0] =	vst.idx.msk $0xffff, v19;
	v19 =	vadd.f32 v21, v13  }
0x10f: {  	v27 =	vand.u32 $0x7D, v27;
	v16 =	vmul.f32 $8.000000000e+00, v16;
	v21 =	vld [tilespmem:s23+$0xFFFFFFE0];
	[tilespmem:v30+s18+$0x0] =	vst.idx.msk $0xffff, v20;
	v20 =	vadd.f32 v22, v12  }
0x110: {  	v28 =	vand.u32 $0x7E, v28;
	v22 =	vadd.f32 v26, v15;
	v17 =	vmul.f32 $8.000000000e+00, v17;
	v26 =	vld [tilespmem:s23+$0xFFFFFFF0];
	[tilespmem:v31+s18+$0x0] =	vst.idx.msk $0xffff, v19  }
0x111: {  	v29 =	vadd.s32 v5, v27;
	v16 =	vadd.f32 v16, v14;
	v19 =	vmul.f32 $8.000000000e+00, v32;
	v30 =	vld [tilespmem:s23+$0x0];
	[tilespmem:v23+s18+$0x0] =	vst.idx.msk $0xffff, v20  }
0x112: {  	[tilespmem:v24+s18+$0x0] =	vst.idx.msk $0xffff, v22;
	v17 =	vadd.f32 v17, v13;
	v20 =	vmul.f32 $8.000000000e+00, v34;
	v22 =	vadd.s32 v9, v27;
	v23 =	vld [tilespmem:s23+$0x10]  }
0x113: {  	v24 =	vadd.s32 v10, v27;
	[tilespmem:v25+s18+$0x0] =	vst.idx.msk $0xffff, v16;
	v16 =	vadd.f32 v19, v12;
	v19 =	vmul.f32 $8.000000000e+00, v35;
	v25 =	vld [tilespmem:s23+$0x20]  }
0x114: {  	[tilespmem:v33+s18+$0x0] =	vst.idx.msk $0xffff, v17;
	v17 =	vadd.f32 v20, v15;
	v20 =	vmul.f32 $8.000000000e+00, v21;
	v21 =	vadd.s32 v11, v27;
	v27 =	vld [tilespmem:s23+$0x30]  }
0x115: {  	[tilespmem:v18+s18+$0x0] =	vst.idx.msk $0xffff, v16;
	v16 =	vadd.f32 v19, v14;
	v18 =	vmul.f32 $8.000000000e+00, v26;
	v26 =	vadd.s32 v5, v28  }
0x116: {  	[tilespmem:v29+s18+$0x0] =	vst.idx.msk $0xffff, v17;
	v17 =	vadd.f32 v20, v13;
	v20 =	vmul.f32 $8.000000000e+00, v30;
	v29 =	vadd.s32 v9, v28  }
.Ltmp6:
0x117: {  	s23 =	sadd.s32 $0x100, s23;
	[tilespmem:v22+s18+$0x0] =	vst.idx.msk $0xffff, v16;
	v18 =	vadd.f32 v18, v12;
	v22 =	vmul.f32 $8.000000000e+00, v23;
	v16 =	vadd.s32 v10, v28;
	(pc) =	sbr.rel @p0 .LBB2_13-.Ltmp6, $4  }
0x118: {  	v19 =	vld [tilespmem:s23+$0x40];
	[tilespmem:v24+s18+$0x0] =	vst.idx.msk $0xffff, v17;
	v23 =	vadd.f32 v20, v15;
	v24 =	vmul.f32 $8.000000000e+00, v25;
	v17 =	vadd.s32 v11, v28  }
0x119: {  	s25 =	sadd.s32 $0x3, s24;
	v20 =	vld [tilespmem:s23+$0x50];
	[tilespmem:v21+s18+$0x0] =	vst.idx.msk $0xffff, v18;
	v25 =	vadd.f32 v22, v14;
	v27 =	vmul.f32 $8.000000000e+00, v27  }
0x11a: {  	v28 =	vmov s25;
	v18 =	vmov s24;
	v21 =	vld [tilespmem:s23+$0x60];
	[tilespmem:v26+s18+$0x0] =	vst.idx.msk $0xffff, v23;
	v24 =	vadd.f32 v24, v13  }
0x11b: {  	s26 =	sadd.s32 $0x2, s24;
	s25 =	sadd.s32 $0x1, s24;
	s24 =	sadd.s32 $0x4, s24;
	v18 =	vand.u32 $0x7C, v18;
	v23 =	vand.u32 $0x7F, v28;
	v22 =	vld [tilespmem:s23+$0x70];
	[tilespmem:v29+s18+$0x0] =	vst.idx.msk $0xffff, v25;
	v25 =	vadd.f32 v27, v12  }
0x11c: {  	_ = 	snop  }
0x11d: {  	v26 =	vld [tilespmem:s23+$0xFFFFFF80];
	v27 =	vmov s25;
	v28 =	vmov s26;
	v29 =	vadd.s32 v5, v23  }
0x11e: {  	v31 =	vadd.s32 v5, v18;
	v32 =	vadd.s32 v9, v23;
	v51 =	vld [tilespmem:s23+$0xFFFFFFC0];
	v19 =	vmul.f32 $8.000000000e+00, v19  }
0x11f: {  	v30 =	vld [tilespmem:s23+$0xFFFFFF90];
	v34 =	vadd.s32 v9, v18;
	v35 =	vadd.s32 v10, v23;
	v20 =	vmul.f32 $8.000000000e+00, v20  }
0x120: {  	v33 =	vld [tilespmem:s23+$0xFFFFFFA0];
	[tilespmem:v16+s18+$0x0] =	vst.idx.msk $0xffff, v24;
	v49 =	vadd.s32 v11, v23;
	v19 =	vadd.f32 v19, v15;
	v21 =	vmul.f32 $8.000000000e+00, v21  }
0x121: {  	v48 =	vld [tilespmem:s23+$0xFFFFFFB0];
	[tilespmem:v17+s18+$0x0] =	vst.idx.msk $0xffff, v25;
	v27 =	vand.u32 $0x7D, v27;
	v20 =	vadd.f32 v20, v14;
	v22 =	vmul.f32 $8.000000000e+00, v22  }
0x122: {  	v54 =	vld [tilespmem:s23+$0xFFFFFFD0];
	v63 =	vadd.s32 v5, v27;
	v52 =	vmul.f32 $8.000000000e+00, v26;
	[tilespmem:v29+s18+$0x0] =	vst.idx.msk $0xffff, v19;
	v55 =	vadd.f32 v21, v13  }
0x123: {  	v50 =	vadd.s32 v10, v18;
	v57 =	vld [tilespmem:s23+$0xFFFFFFE0];
	v38 =	vmul.f32 $8.000000000e+00, v51;
	[tilespmem:v32+s18+$0x0] =	vst.idx.msk $0xffff, v20;
	v58 =	vadd.f32 v22, v12  }
0x124: {  	v53 =	vadd.s32 v11, v18;
	v61 =	vld [tilespmem:s23+$0xFFFFFFF0];
	v56 =	vmul.f32 $8.000000000e+00, v30;
	v59 =	vadd.f32 v52, v15;
	[tilespmem:v35+s18+$0x0] =	vst.idx.msk $0xffff, v55  }
0x125: {  	v36 =	vld [tilespmem:s23+$0x0];
	v28 =	vand.u32 $0x7E, v28;
	v60 =	vmul.f32 $8.000000000e+00, v33;
	v44 =	vadd.f32 v38, v15;
	[tilespmem:v49+s18+$0x0] =	vst.idx.msk $0xffff, v58  }
0x126: {  	v40 =	vld [tilespmem:s23+$0x10];
	v39 =	vadd.s32 v9, v27;
	v16 =	vmul.f32 $8.000000000e+00, v48;
	v62 =	vadd.f32 v56, v14;
	[tilespmem:v31+s18+$0x0] =	vst.idx.msk $0xffff, v59  }
0x127: {  	v43 =	vld [tilespmem:s23+$0x20];
	v42 =	vadd.s32 v10, v27;
	v41 =	vmul.f32 $8.000000000e+00, v54;
	v37 =	vadd.f32 v60, v13;
	[tilespmem:v63+s18+$0x0] =	vst.idx.msk $0xffff, v44  }
0x128: {  	v47 =	vld [tilespmem:s23+$0x30];
	v46 =	vadd.s32 v11, v27;
	v45 =	vmul.f32 $8.000000000e+00, v57;
	v16 =	vadd.f32 v16, v12;
	[tilespmem:v34+s18+$0x0] =	vst.idx.msk $0xffff, v62  }
0x129: {  	v48 =	vadd.f32 v41, v14;
	v49 =	vmul.f32 $8.000000000e+00, v61;
	[tilespmem:v50+s18+$0x0] =	vst.idx.msk $0xffff, v37;
	v50 =	vadd.s32 v5, v28  }
0x12a: {  	v51 =	vadd.f32 v45, v13;
	v52 =	vmul.f32 $8.000000000e+00, v36;
	[tilespmem:v53+s18+$0x0] =	vst.idx.msk $0xffff, v16;
	v53 =	vadd.s32 v9, v28  }
0x12b: {  	v55 =	vmul.f32 $8.000000000e+00, v40;
	v56 =	vadd.s32 v10, v28;
	[tilespmem:v39+s18+$0x0] =	vst.idx.msk $0xffff, v48;
	v54 =	vadd.f32 v49, v12  }
0x12c: {  	v58 =	vmul.f32 $8.000000000e+00, v43;
	v57 =	vadd.f32 v52, v15;
	v59 =	vadd.s32 v11, v28;
	[tilespmem:v42+s18+$0x0] =	vst.idx.msk $0xffff, v51  }
0x12d: {  	v61 =	vmul.f32 $8.000000000e+00, v47;
	v60 =	vadd.f32 v55, v14;
	[tilespmem:v46+s18+$0x0] =	vst.idx.msk $0xffff, v54  }
0x12e: {  	s22 =	sshll.u32 s22, $0x12;
	v62 =	vadd.f32 v58, v13;
	[tilespmem:v50+s18+$0x0] =	vst.idx.msk $0xffff, v57  }
0x12f: {  	s22 =	sor.u32 s7, s22;
	v63 =	vadd.f32 v61, v12;
	[tilespmem:v53+s18+$0x0] =	vst.idx.msk $0xffff, v60  }
0x130: {  	s22 =	sshrl.u32 s22, $0x3;
	[tilespmem:v56+s18+$0x0] =	vst.idx.msk $0xffff, v62  }
0x131: {  	s25 =	simm.s32 $0x16000;
	s23 =	sadd.s32 s2, s22;
	[tilespmem:v59+s18+$0x0] =	vst.idx.msk $0xffff, v63  }
0x132: {  	[hbm4b:s23+s3] =	stream.linear.scatter [tilespmem:s25], [sflag:$0x2], $0x80, $0x38;
	[tilespmem:$0x18200] =	vst v63  }
0x133: {  	s26 =	simm.s32 $0x16088;
	s24 =	sadd.s32 $0x10, s23  }
0x134: {  	[hbm4b:s24+s3] =	stream.linear.scatter [tilespmem:s26], [sflag:$0x2], $0x80, $0x38;
	[tilespmem:$0x18200] =	vst v63  }
0x135: {  	s28 =	simm.s32 $0x16110;
	s30 =	simm.s32 $0x16198;
	s29 =	sadd.s32 $0x20, s23  }
0x136: {  	[hbm4b:s29+s3] =	stream.linear.scatter [tilespmem:s28], [sflag:$0x2], $0x80, $0x38;
	[tilespmem:$0x18200] =	vst v63  }
0x137: {  	s22 =	simm.s32 $0x440;
	s31 =	sadd.s32 $0x30, s23;
	s25 =	simm.s32 $0x16220  }
0x138: {  	[hbm4b:s31+s3] =	stream.linear.scatter [tilespmem:s30], [sflag:$0x2], $0x80, $0x38;
	[tilespmem:$0x18200] =	vst v63  }
0x139: {  	s26 =	sadd.s32 $0x40, s23;
	s24 =	simm.s32 $0x2200;
	s28 =	simm.s32 $0x162A8  }
0x13a: {  	[hbm4b:s26+s3] =	stream.linear.scatter [tilespmem:s25], [sflag:$0x2], $0x80, $0x38;
	[tilespmem:$0x18200] =	vst v63  }
0x13b: {  	s29 =	sadd.s32 $0x50, s23;
	s30 =	simm.s32 $0x16330;
	s31 =	sadd.s32 $0x60, s23  }
0x13c: {  	[hbm4b:s29+s3] =	stream.linear.scatter [tilespmem:s28], [sflag:$0x2], $0x80, $0x38;
	[tilespmem:$0x18200] =	vst v63  }
0x13d: {  	s25 =	simm.s32 $0x163B8;
	s26 =	sadd.s32 $0x70, s23;
	s23 =	sadd.s32 $0x1000, s23  }
0x13e: {  	[hbm4b:s31+s3] =	stream.linear.scatter [tilespmem:s30], [sflag:$0x2], $0x80, $0x38;
	[tilespmem:$0x18200] =	vst v63  }
.LBB2_15:
0x13f: {  	[hbm4b:s26+s3] =	stream.linear.scatter [tilespmem:s25], [sflag:$0x2], $0x80, $0x38;
	[tilespmem:$0x18200] =	vst v63  }
0x140: {  	s25 =	smov.u32 s22;
	s22 =	smov.u32 s24  }
0x141: {  	s28 =	sadd.s32 $0x1100, s24;
	s22 =	sshra.s32 s22, $0x2;
	s26 =	sadd.s32 $0x16000, s25  }
0x142: {  	[hbm4b:s23+s3] =	stream.linear.scatter [tilespmem:s26], [sflag:$0x2], $0x80, $0x38;
	[tilespmem:$0x18200] =	vst v63  }
0x143: {  	p0 =	sne.s32 s24, $0x7700;
	s24 =	sadd.s32 $0x16088, s25;
	s26 =	sadd.s32 $0x10, s23  }
0x144: {  	[hbm4b:s26+s3] =	stream.linear.scatter [tilespmem:s24], [sflag:$0x2], $0x80, $0x38;
	[tilespmem:$0x18200] =	vst v63  }
0x145: {  	s24 =	sadd.s32 $0x16110, s25;
	s26 =	sadd.s32 $0x20, s23  }
0x146: {  	[hbm4b:s26+s3] =	stream.linear.scatter [tilespmem:s24], [sflag:$0x2], $0x80, $0x38;
	[tilespmem:$0x18200] =	vst v63  }
0x147: {  	s24 =	sadd.s32 $0x16198, s25;
	s26 =	sadd.s32 $0x30, s23  }
0x148: {  	[hbm4b:s26+s3] =	stream.linear.scatter [tilespmem:s24], [sflag:$0x2], $0x80, $0x38;
	[tilespmem:$0x18200] =	vst v63  }
0x149: {  	s24 =	sadd.s32 $0x16220, s25;
	s26 =	sadd.s32 $0x40, s23  }
0x14a: {  	[hbm4b:s26+s3] =	stream.linear.scatter [tilespmem:s24], [sflag:$0x2], $0x80, $0x38;
	[tilespmem:$0x18200] =	vst v63  }
.Ltmp7:
0x14b: {  	s24 =	sadd.s32 $0x162A8, s25;
	s26 =	sadd.s32 $0x50, s23;
	(pc) =	sbr.rel @p0 .LBB2_15-.Ltmp7, $4  }
0x14c: {  	[hbm4b:s26+s3] =	stream.linear.scatter [tilespmem:s24], [sflag:$0x2], $0x80, $0x38;
	[tilespmem:$0x18200] =	vst v63  }
0x14d: {  	s24 =	sadd.s32 $0x16330, s25;
	s26 =	sadd.s32 $0x60, s23;
	s25 =	sadd.s32 $0x163B8, s25  }
0x14e: {  	[hbm4b:s26+s3] =	stream.linear.scatter [tilespmem:s24], [sflag:$0x2], $0x80, $0x38;
	[tilespmem:$0x18200] =	vst v63  }
0x14f: {  	s26 =	sadd.s32 $0x70, s23;
	s23 =	sadd.s32 $0x1000, s23;
	s24 =	smov.u32 s28  }
0x150: {  	[hbm4b:s26+s3] =	stream.linear.scatter [tilespmem:s25], [sflag:$0x2], $0x80, $0x38;
	[tilespmem:$0x18200] =	vst v63  }
0x151: {  	s24 =	sadd.s32 $0x16000, s22  }
0x152: {  	[hbm4b:s23+s3] =	stream.linear.scatter [tilespmem:s24], [sflag:$0x2], $0x80, $0x38;
	[tilespmem:$0x18200] =	vst v63  }
0x153: {  	s30 =	sadd.s32 $0x16088, s22;
	s31 =	sadd.s32 $0x10, s23  }
0x154: {  	[hbm4b:s31+s3] =	stream.linear.scatter [tilespmem:s30], [sflag:$0x2], $0x80, $0x38;
	[tilespmem:$0x18200] =	vst v63  }
0x155: {  	s25 =	sadd.s32 $0x16110, s22;
	s26 =	sadd.s32 $0x20, s23  }
0x156: {  	[hbm4b:s26+s3] =	stream.linear.scatter [tilespmem:s25], [sflag:$0x2], $0x80, $0x38;
	[tilespmem:$0x18200] =	vst v63  }
0x157: {  	s28 =	sadd.s32 $0x16198, s22;
	s29 =	sadd.s32 $0x30, s23  }
0x158: {  	[hbm4b:s29+s3] =	stream.linear.scatter [tilespmem:s28], [sflag:$0x2], $0x80, $0x38;
	[tilespmem:$0x18200] =	vst v63  }
0x159: {  	s21 =	sadd.s32 $0x1, s21;
	s30 =	sadd.s32 $0x16220, s22;
	s31 =	sadd.s32 $0x40, s23  }
0x15a: {  	[hbm4b:s31+s3] =	stream.linear.scatter [tilespmem:s30], [sflag:$0x2], $0x80, $0x38;
	[tilespmem:$0x18200] =	vst v63  }
0x15b: {  	p0 =	sne.s32 s21, $0x64;
	s25 =	sadd.s32 $0x162A8, s22;
	s26 =	sadd.s32 $0x50, s23  }
0x15c: {  	[hbm4b:s26+s3] =	stream.linear.scatter [tilespmem:s25], [sflag:$0x2], $0x80, $0x38;
	[tilespmem:$0x18200] =	vst v63  }
.Ltmp8:
0x15d: {  	_ = 	snop;
	(pc) =	sbr.rel @p0 .LBB2_4-.Ltmp8, $4  }
0x15e: {  	s28 =	sadd.s32 $0x16330, s22;
	s29 =	sadd.s32 $0x60, s23  }
0x15f: {  	[hbm4b:s29+s3] =	stream.linear.scatter [tilespmem:s28], [sflag:$0x2], $0x80, $0x38;
	[tilespmem:$0x18200] =	vst v63  }
0x160: {  	s30 =	sadd.s32 $0x163B8, s22;
	s31 =	sadd.s32 $0x70, s23  }
0x161: {  	[hbm4b:s31+s3] =	stream.linear.scatter [tilespmem:s30], [sflag:$0x2], $0x80, $0x38;
	[tilespmem:$0x18200] =	vst v63  }
0x162: {  	s19 =	sadd.s32 $0x1, s19  }
0x163: {  	_ =	swait.ge [sflag:s17], $0x2000;
	p0 =	sne.s32 s19, s8  }
.Ltmp9:
0x164: {  	[sflag:s17] =	ssyncset.done $0x0;
	(pc) =	sbr.rel @p0 .LBB2_1-.Ltmp9, $4  }
0x165: {  	[sflag:s17] =	ssyncadd.s32 $0xFFFFE000  }
0x166: {  	_ =	swait.ge [sflag:s17], $0x2000  }
0x167: {  	[sflag:s17] =	ssyncset.done $0x0  }
0x168: {  	[sflag:s17] =	ssyncadd.s32 $0xFFFFE000  }
0x169: {  	_ =	sfence.sel $0x180000  }
0x16a: {  	[bflag:$0x0] =	sbarrier.arrive $0xFFFF  }
0x16b: {  	p0 =	sne.s32 s0, $0x0;
	_ =	strace $0x90000047  }
0x16c: {  	s0 =	sadd.s32 @!p0 $0x100000, s1;
	[bflag:$0x2] =	sbarrier.arrive $0xFFFF  }
0x16d: {  	[sflag:s0] =	ssyncadd.tile.s32 @!p0 $0x1;
	_ =	shalt  }
.Lfunc_end2:
_tile_overlayer_lowered:
.L_overlay_start_2:
0x16e: {  	(tag) =	ssettag $0x2  }
0x16f: {  	s0 =	rddreg [dreg:$0x0];
	s2 =	stileid.u32  }
0x170: {  	s1 =	rddreg [dreg:$0x1];
	p0 =	sne.s32 s2, $0x0  }
0x171: {  	s3 =	rddreg [dreg:$0x2];
	[bflag:$0x3] =	sbarrier.arrive $0xFFFF;
	s2 =	simm.s32 @!p0 $0x1C03  }
0x172: {  	[timem:s3], [sflag:s2] =	dma.local @!p0 [hbm:s0], s1  }
0x173: {  	s0 =	simm.s32 @!p0 $0x3  }
0x174: {  	_ =	swait.ge @!p0 [sflag:s0], s1  }
0x175: {  	s1 =	ssub.s32 @!p0 $0x0, s1;
	[sflag:s0] =	ssyncset.done @!p0 $0x0  }
0x176: {  	[sflag:s0] =	ssyncadd.s32 @!p0 s1  }
0x177: {  	[bflag:$0x3] =	sbarrier.arrive $0xFFFF  }
0x178: {  	_ =	shalt  }

</sc_bundles>
